<compile_context>
chip_gen: v7x
topology: tpu7x:2x2x1
jax: 0.10.2.dev20260603
libtpu: 0.0.44.dev20260713+nightly
codegen_flags: <defaults>
</compile_context>

<pallas_src>
import functools

import jax
import jax.numpy as jnp
from jax import lax
from jax.experimental import pallas as pl
from jax.experimental.pallas import tpu as pltpu
from jax.experimental.pallas import tpu_sc as plsc

N_NODES = 10000
N_HIDDEN = 128
N_EVENTS = 320000
N_TYPES = 2

_LANES = 16
_NC = 2
_NS = 16
_NW = _NC * _NS
_CHUNK = N_EVENTS // _NW


def _table_body(emb_ref, w_ref, b_ref, psi_ref, out_ref):
    w = w_ref[...]
    s = 0.5 * (w[:, :N_HIDDEN] + w[:, N_HIDDEN:])
    t = lax.dot_general(s, emb_ref[...], (((1,), (1,)), ((), ())),
                        preferred_element_type=jnp.float32)
    out_ref[pl.ds(0, N_NODES)] = (t[0, :] + 0.5 * b_ref[0]) / psi_ref[0]
    out_ref[pl.ds(N_NODES, N_NODES)] = (t[1, :] + 0.5 * b_ref[1]) / psi_ref[1]


def _make_table(embeddings, omega_W, omega_b, psi):
    return pl.pallas_call(
        _table_body,
        out_shape=jax.ShapeDtypeStruct((N_TYPES * N_NODES,), jnp.float32),
        in_specs=[
            pl.BlockSpec((N_NODES, N_HIDDEN), lambda: (0, 0)),
            pl.BlockSpec((N_TYPES, 2 * N_HIDDEN), lambda: (0, 0)),
            pl.BlockSpec(memory_space=pltpu.SMEM),
            pl.BlockSpec(memory_space=pltpu.SMEM),
        ],
    )(embeddings, omega_W, omega_b, psi)


_LOG_SCALE = 0.6931471805599453 / 8388608.0
_LOG_BIAS = 0.6931471805599453 * 126.9569643


_SEG0 = 4992
_SEG1 = _CHUNK - _SEG0


def _sc_body(u_hbm, v_hbm, k_hbm, tab_hbm, psi_hbm, out_hbm,
             u_v, v_v, k_v, tab_v, psi_v, o_v, sem, semw):
    wid = lax.axis_index("s") * _NC + lax.axis_index("c")
    base = wid * _CHUNK
    ct = pltpu.async_copy(tab_hbm, tab_v, sem)
    cp = pltpu.async_copy(psi_hbm, psi_v, sem)
    seg0 = [pltpu.async_copy(h.at[pl.ds(base, _SEG0)], d.at[pl.ds(0, _SEG0)], sem)
            for h, d in ((u_hbm, u_v), (v_hbm, v_v), (k_hbm, k_v))]
    seg1 = [pltpu.async_copy(h.at[pl.ds(base + _SEG0, _SEG1)],
                             d.at[pl.ds(_SEG0, _SEG1)], sem)
            for h, d in ((u_hbm, u_v), (v_hbm, v_v), (k_hbm, k_v))]
    ct.wait()
    cp.wait()
    for c in seg0:
        c.wait()

    def softplus_block(lo, n):
        @plsc.parallel_loop(lo // _LANES, (lo + n) // _LANES, unroll=4)
        def _(i):
            sl = pl.ds(i * _LANES, _LANES)
            kb = k_v[sl] * N_NODES
            r = (plsc.load_gather(tab_v, [kb + u_v[sl]])
                 + plsc.load_gather(tab_v, [kb + v_v[sl]]))
            psi_e = plsc.load_gather(psi_v, [k_v[sl]])
            r = jnp.clip(r, -75.0, 75.0)
            x = 1.0 + jnp.exp(r)
            y = (plsc.bitcast(x, jnp.int32).astype(jnp.float32) * _LOG_SCALE
                 - _LOG_BIAS)
            y = y - 1.0 + x * jnp.exp(-y)
            o_v[sl] = psi_e * y

    softplus_block(0, _SEG0)
    w0 = pltpu.async_copy(o_v.at[pl.ds(0, _SEG0)],
                          out_hbm.at[pl.ds(base, _SEG0)], semw)
    for c in seg1:
        c.wait()
    softplus_block(_SEG0, _SEG1)
    pltpu.sync_copy(o_v.at[pl.ds(_SEG0, _SEG1)],
                    out_hbm.at[pl.ds(base + _SEG0, _SEG1)])
    w0.wait()


def _sc_intensity(u, v, event_type, table, psi):
    mesh = plsc.VectorSubcoreMesh(core_axis_name="c", subcore_axis_name="s")
    kern = functools.partial(
        pl.kernel,
        mesh=mesh,
        out_type=jax.ShapeDtypeStruct((N_EVENTS,), jnp.float32),
        scratch_types=[
            pltpu.VMEM((_CHUNK,), jnp.int32),
            pltpu.VMEM((_CHUNK,), jnp.int32),
            pltpu.VMEM((_CHUNK,), jnp.int32),
            pltpu.VMEM((N_TYPES * N_NODES,), jnp.float32),
            pltpu.VMEM((N_TYPES,), jnp.float32),
            pltpu.VMEM((_CHUNK,), jnp.float32),
            pltpu.SemaphoreType.DMA,
            pltpu.SemaphoreType.DMA,
        ],
        compiler_params=pltpu.CompilerParams(needs_layout_passes=False),
    )(_sc_body)
    return kern(u, v, event_type, table, psi)


def kernel(embeddings, omega_W, omega_b, psi, u, v, event_type):
    u = u.astype(jnp.int32)
    v = v.astype(jnp.int32)
    event_type = event_type.astype(jnp.int32)

    table = _make_table(embeddings, omega_W, omega_b, psi)
    return _sc_intensity(u, v, event_type, table, psi)

# --- scband reference (transcript-rebuilt; emitter-appended) ---
"""Pipeline reference for scband-dy-rep-2345052144322 (READ-ONLY COPY).

The authoritative reference and input builder live on the scoring server;
editing this copy changes nothing except your own understanding.
"""

import jax, jax.numpy as jnp
import numpy as np

N_NODES = 10000
N_HIDDEN = 128
N_EVENTS = 320000
N_TYPES = 2

def setup_inputs(seed: int = 0) -> dict:
    key = jax.random.key(seed)
    k1, k2, k3, k4, k5, k6 = jax.random.split(key, 6)
    u = jax.random.randint(k1, (N_EVENTS,), 0, N_NODES)
    v = jax.random.randint(k2, (N_EVENTS,), 0, N_NODES)
    event_type = jax.random.randint(k3, (N_EVENTS,), 0, N_TYPES)
    # learned/buffer parameters sized per init_kwargs
    embeddings = jax.random.uniform(k4, (N_NODES, N_HIDDEN), dtype=jnp.float32)
    omega_W = jax.random.normal(k5, (N_TYPES, 2 * N_HIDDEN), dtype=jnp.float32) * (1.0 / np.sqrt(2 * N_HIDDEN))
    omega_b = jax.random.normal(k6, (N_TYPES,), dtype=jnp.float32) * 0.01
    psi = 0.5 * jnp.ones((N_TYPES,), dtype=jnp.float32)
    return {"embeddings": embeddings, "omega_W": omega_W, "omega_b": omega_b,
            "psi": psi, "u": u, "v": v, "event_type": event_type}

def reference(embeddings, omega_W, omega_b, psi, u, v, event_type):
    # DyRep.calculate_intensity_rates (the hot forward path): gather node
    # embeddings for both endpoints, symmetric per-event-type affinity g,
    # then softplus-style f with per-type learned psi.
    z_u = jnp.take(embeddings, u, axis=0)
    z_v = jnp.take(embeddings, v, axis=0)
    z_cat_uv = jnp.concatenate((z_u, z_v), axis=1)
    z_cat_vu = jnp.concatenate((z_v, z_u), axis=1)

    def g_fun(z_cat):
        # omega[event_type](z_cat[idx]) for each event, vectorized:
        logits = z_cat @ omega_W.T + omega_b  # [B, K]
        return jnp.take_along_axis(logits, event_type[:, None], axis=1)  # [B, 1]

    g_symmetric = 0.5 * (g_fun(z_cat_uv) + g_fun(z_cat_vu))
    psi_e = jnp.take(psi, event_type)[:, None]
    r = jnp.clip(g_symmetric / psi_e, -75.0, 75.0)
    intensity = psi_e * jnp.log(1.0 + jnp.exp(r))
    return intensity.reshape(-1)

if __name__ == "__main__":
    import jax
    _d = setup_inputs()
    print(jax.jit(kernel)(*tuple(_d.values())))

</pallas_src>

<mosaic_0001>
#map = affine_map<(d0, d1) -> (0)>
module attributes {stable_mosaic.version = 14 : i64} {
  func.func @_sc_body(%arg0: i32, %arg1: i32, %arg2: memref<320000xi32, #tpu.memory_space<hbm>>, %arg3: memref<320000xi32, #tpu.memory_space<hbm>>, %arg4: memref<320000xi32, #tpu.memory_space<hbm>>, %arg5: memref<20000xf32, #tpu.memory_space<hbm>>, %arg6: memref<2xf32, #tpu.memory_space<hbm>>, %arg7: memref<320000xf32, #tpu.memory_space<hbm>>, %arg8: memref<10000xi32, #tpu.memory_space<vmem>>, %arg9: memref<10000xi32, #tpu.memory_space<vmem>>, %arg10: memref<10000xi32, #tpu.memory_space<vmem>>, %arg11: memref<20000xf32, #tpu.memory_space<vmem>>, %arg12: memref<2xf32, #tpu.memory_space<vmem>>, %arg13: memref<10000xf32, #tpu.memory_space<vmem>>, %arg14: memref<!tpu.dma_semaphore, #tpu.memory_space<semaphore_mem>>, %arg15: memref<!tpu.dma_semaphore, #tpu.memory_space<semaphore_mem>>) attributes {dimension_semantics = [#tpu.dimension_semantics<core_parallel>, #tpu.dimension_semantics<subcore_parallel>], iteration_bounds = array<i64: 2, 16>, scalar_prefetch = 0 : i64, scratch_operands = 8 : i64, tpu.core_type = #tpu.core_type<sc_vector_subcore>, window_params = [{transform_indices = #map}, {transform_indices = #map}, {transform_indices = #map}, {transform_indices = #map}, {transform_indices = #map}, {transform_indices = #map}]} {
    %mul3A = arith.constant 2 : i32
    %mul3A_0 = arith.muli %arg1, %mul3A : i32
    %add3A = arith.addi %mul3A_0, %arg0 : i32
    %mul3A_1 = arith.constant 10000 : i32
    %mul3A_2 = arith.muli %add3A, %mul3A_1 : i32
    tpu.enqueue_dma source(%arg5 : memref<20000xf32, #tpu.memory_space<hbm>>) target(%arg11 : memref<20000xf32, #tpu.memory_space<vmem>>) target_semaphore(%arg14 : memref<!tpu.dma_semaphore, #tpu.memory_space<semaphore_mem>>)
    tpu.enqueue_dma source(%arg6 : memref<2xf32, #tpu.memory_space<hbm>>) target(%arg12 : memref<2xf32, #tpu.memory_space<vmem>>) target_semaphore(%arg14 : memref<!tpu.dma_semaphore, #tpu.memory_space<semaphore_mem>>)
    %dma_start3A = arith.constant 0 : i32
    %dma_start3A_3 = tpu.memref_slice %arg8[%dma_start3A] : memref<10000xi32, #tpu.memory_space<vmem>> -> memref<4992xi32, #tpu.memory_space<vmem>>
    %dma_start3A_4 = tpu.memref_slice %arg2[%mul3A_2] : memref<320000xi32, #tpu.memory_space<hbm>> -> memref<4992xi32, #tpu.memory_space<hbm>>
    %dma_start3A_5 = arith.constant 0 : i32
    %dma_start3A_6 = tpu.memref_slice %arg8[%dma_start3A_5] : memref<10000xi32, #tpu.memory_space<vmem>> -> memref<4992xi32, #tpu.memory_space<vmem>>
    %dma_start3A_7 = tpu.memref_slice %arg2[%mul3A_2] : memref<320000xi32, #tpu.memory_space<hbm>> -> memref<4992xi32, #tpu.memory_space<hbm>>
    tpu.enqueue_dma source(%dma_start3A_7 : memref<4992xi32, #tpu.memory_space<hbm>>) target(%dma_start3A_6 : memref<4992xi32, #tpu.memory_space<vmem>>) target_semaphore(%arg14 : memref<!tpu.dma_semaphore, #tpu.memory_space<semaphore_mem>>)
    %dma_start3A_8 = arith.constant 0 : i32
    %dma_start3A_9 = tpu.memref_slice %arg9[%dma_start3A_8] : memref<10000xi32, #tpu.memory_space<vmem>> -> memref<4992xi32, #tpu.memory_space<vmem>>
    %dma_start3A_10 = tpu.memref_slice %arg3[%mul3A_2] : memref<320000xi32, #tpu.memory_space<hbm>> -> memref<4992xi32, #tpu.memory_space<hbm>>
    %dma_start3A_11 = arith.constant 0 : i32
    %dma_start3A_12 = tpu.memref_slice %arg9[%dma_start3A_11] : memref<10000xi32, #tpu.memory_space<vmem>> -> memref<4992xi32, #tpu.memory_space<vmem>>
    %dma_start3A_13 = tpu.memref_slice %arg3[%mul3A_2] : memref<320000xi32, #tpu.memory_space<hbm>> -> memref<4992xi32, #tpu.memory_space<hbm>>
    tpu.enqueue_dma source(%dma_start3A_13 : memref<4992xi32, #tpu.memory_space<hbm>>) target(%dma_start3A_12 : memref<4992xi32, #tpu.memory_space<vmem>>) target_semaphore(%arg14 : memref<!tpu.dma_semaphore, #tpu.memory_space<semaphore_mem>>)
    %dma_start3A_14 = arith.constant 0 : i32
    %dma_start3A_15 = tpu.memref_slice %arg10[%dma_start3A_14] : memref<10000xi32, #tpu.memory_space<vmem>> -> memref<4992xi32, #tpu.memory_space<vmem>>
    %dma_start3A_16 = tpu.memref_slice %arg4[%mul3A_2] : memref<320000xi32, #tpu.memory_space<hbm>> -> memref<4992xi32, #tpu.memory_space<hbm>>
    %dma_start3A_17 = arith.constant 0 : i32
    %dma_start3A_18 = tpu.memref_slice %arg10[%dma_start3A_17] : memref<10000xi32, #tpu.memory_space<vmem>> -> memref<4992xi32, #tpu.memory_space<vmem>>
    %dma_start3A_19 = tpu.memref_slice %arg4[%mul3A_2] : memref<320000xi32, #tpu.memory_space<hbm>> -> memref<4992xi32, #tpu.memory_space<hbm>>
    tpu.enqueue_dma source(%dma_start3A_19 : memref<4992xi32, #tpu.memory_space<hbm>>) target(%dma_start3A_18 : memref<4992xi32, #tpu.memory_space<vmem>>) target_semaphore(%arg14 : memref<!tpu.dma_semaphore, #tpu.memory_space<semaphore_mem>>)
    %add3A_20 = arith.constant 4992 : i32
    %add3A_21 = arith.addi %mul3A_2, %add3A_20 : i32
    %dma_start3A_22 = arith.constant 4992 : i32
    %dma_start3A_23 = tpu.memref_slice %arg8[%dma_start3A_22] : memref<10000xi32, #tpu.memory_space<vmem>> -> memref<5008xi32, #tpu.memory_space<vmem>>
    %dma_start3A_24 = tpu.memref_slice %arg2[%add3A_21] : memref<320000xi32, #tpu.memory_space<hbm>> -> memref<5008xi32, #tpu.memory_space<hbm>>
    %dma_start3A_25 = arith.constant 4992 : i32
    %dma_start3A_26 = tpu.memref_slice %arg8[%dma_start3A_25] : memref<10000xi32, #tpu.memory_space<vmem>> -> memref<5008xi32, #tpu.memory_space<vmem>>
    %dma_start3A_27 = tpu.memref_slice %arg2[%add3A_21] : memref<320000xi32, #tpu.memory_space<hbm>> -> memref<5008xi32, #tpu.memory_space<hbm>>
    tpu.enqueue_dma source(%dma_start3A_27 : memref<5008xi32, #tpu.memory_space<hbm>>) target(%dma_start3A_26 : memref<5008xi32, #tpu.memory_space<vmem>>) target_semaphore(%arg14 : memref<!tpu.dma_semaphore, #tpu.memory_space<semaphore_mem>>)
    %add3A_28 = arith.constant 4992 : i32
    %add3A_29 = arith.addi %mul3A_2, %add3A_28 : i32
    %dma_start3A_30 = arith.constant 4992 : i32
    %dma_start3A_31 = tpu.memref_slice %arg9[%dma_start3A_30] : memref<10000xi32, #tpu.memory_space<vmem>> -> memref<5008xi32, #tpu.memory_space<vmem>>
    %dma_start3A_32 = tpu.memref_slice %arg3[%add3A_29] : memref<320000xi32, #tpu.memory_space<hbm>> -> memref<5008xi32, #tpu.memory_space<hbm>>
    %dma_start3A_33 = arith.constant 4992 : i32
    %dma_start3A_34 = tpu.memref_slice %arg9[%dma_start3A_33] : memref<10000xi32, #tpu.memory_space<vmem>> -> memref<5008xi32, #tpu.memory_space<vmem>>
    %dma_start3A_35 = tpu.memref_slice %arg3[%add3A_29] : memref<320000xi32, #tpu.memory_space<hbm>> -> memref<5008xi32, #tpu.memory_space<hbm>>
    tpu.enqueue_dma source(%dma_start3A_35 : memref<5008xi32, #tpu.memory_space<hbm>>) target(%dma_start3A_34 : memref<5008xi32, #tpu.memory_space<vmem>>) target_semaphore(%arg14 : memref<!tpu.dma_semaphore, #tpu.memory_space<semaphore_mem>>)
    %add3A_36 = arith.constant 4992 : i32
    %add3A_37 = arith.addi %mul3A_2, %add3A_36 : i32
    %dma_start3A_38 = arith.constant 4992 : i32
    %dma_start3A_39 = tpu.memref_slice %arg10[%dma_start3A_38] : memref<10000xi32, #tpu.memory_space<vmem>> -> memref<5008xi32, #tpu.memory_space<vmem>>
    %dma_start3A_40 = tpu.memref_slice %arg4[%add3A_37] : memref<320000xi32, #tpu.memory_space<hbm>> -> memref<5008xi32, #tpu.memory_space<hbm>>
    %dma_start3A_41 = arith.constant 4992 : i32
    %dma_start3A_42 = tpu.memref_slice %arg10[%dma_start3A_41] : memref<10000xi32, #tpu.memory_space<vmem>> -> memref<5008xi32, #tpu.memory_space<vmem>>
    %dma_start3A_43 = tpu.memref_slice %arg4[%add3A_37] : memref<320000xi32, #tpu.memory_space<hbm>> -> memref<5008xi32, #tpu.memory_space<hbm>>
    tpu.enqueue_dma source(%dma_start3A_43 : memref<5008xi32, #tpu.memory_space<hbm>>) target(%dma_start3A_42 : memref<5008xi32, #tpu.memory_space<vmem>>) target_semaphore(%arg14 : memref<!tpu.dma_semaphore, #tpu.memory_space<semaphore_mem>>)
    tpu.wait_dma2 semaphore(%arg14 : memref<!tpu.dma_semaphore, #tpu.memory_space<semaphore_mem>>) src(%arg5 : memref<20000xf32, #tpu.memory_space<hbm>>) dst(%arg11 : memref<20000xf32, #tpu.memory_space<vmem>>)
    tpu.wait_dma2 semaphore(%arg14 : memref<!tpu.dma_semaphore, #tpu.memory_space<semaphore_mem>>) src(%arg6 : memref<2xf32, #tpu.memory_space<hbm>>) dst(%arg12 : memref<2xf32, #tpu.memory_space<vmem>>)
    %dma_wait3A = arith.constant 0 : i32
    %dma_wait3A_44 = tpu.memref_slice %arg8[%dma_wait3A] : memref<10000xi32, #tpu.memory_space<vmem>> -> memref<4992xi32, #tpu.memory_space<vmem>>
    %dma_wait3A_45 = tpu.memref_slice %arg2[%mul3A_2] : memref<320000xi32, #tpu.memory_space<hbm>> -> memref<4992xi32, #tpu.memory_space<hbm>>
    %dma_wait3A_46 = arith.constant 0 : i32
    %dma_wait3A_47 = tpu.memref_slice %arg8[%dma_wait3A_46] : memref<10000xi32, #tpu.memory_space<vmem>> -> memref<4992xi32, #tpu.memory_space<vmem>>
    %dma_wait3A_48 = tpu.memref_slice %arg2[%mul3A_2] : memref<320000xi32, #tpu.memory_space<hbm>> -> memref<4992xi32, #tpu.memory_space<hbm>>
    tpu.wait_dma2 semaphore(%arg14 : memref<!tpu.dma_semaphore, #tpu.memory_space<semaphore_mem>>) src(%dma_wait3A_48 : memref<4992xi32, #tpu.memory_space<hbm>>) dst(%dma_wait3A_47 : memref<4992xi32, #tpu.memory_space<vmem>>)
    %dma_wait3A_49 = arith.constant 0 : i32
    %dma_wait3A_50 = tpu.memref_slice %arg9[%dma_wait3A_49] : memref<10000xi32, #tpu.memory_space<vmem>> -> memref<4992xi32, #tpu.memory_space<vmem>>
    %dma_wait3A_51 = tpu.memref_slice %arg3[%mul3A_2] : memref<320000xi32, #tpu.memory_space<hbm>> -> memref<4992xi32, #tpu.memory_space<hbm>>
    %dma_wait3A_52 = arith.constant 0 : i32
    %dma_wait3A_53 = tpu.memref_slice %arg9[%dma_wait3A_52] : memref<10000xi32, #tpu.memory_space<vmem>> -> memref<4992xi32, #tpu.memory_space<vmem>>
    %dma_wait3A_54 = tpu.memref_slice %arg3[%mul3A_2] : memref<320000xi32, #tpu.memory_space<hbm>> -> memref<4992xi32, #tpu.memory_space<hbm>>
    tpu.wait_dma2 semaphore(%arg14 : memref<!tpu.dma_semaphore, #tpu.memory_space<semaphore_mem>>) src(%dma_wait3A_54 : memref<4992xi32, #tpu.memory_space<hbm>>) dst(%dma_wait3A_53 : memref<4992xi32, #tpu.memory_space<vmem>>)
    %dma_wait3A_55 = arith.constant 0 : i32
    %dma_wait3A_56 = tpu.memref_slice %arg10[%dma_wait3A_55] : memref<10000xi32, #tpu.memory_space<vmem>> -> memref<4992xi32, #tpu.memory_space<vmem>>
    %dma_wait3A_57 = tpu.memref_slice %arg4[%mul3A_2] : memref<320000xi32, #tpu.memory_space<hbm>> -> memref<4992xi32, #tpu.memory_space<hbm>>
    %dma_wait3A_58 = arith.constant 0 : i32
    %dma_wait3A_59 = tpu.memref_slice %arg10[%dma_wait3A_58] : memref<10000xi32, #tpu.memory_space<vmem>> -> memref<4992xi32, #tpu.memory_space<vmem>>
    %dma_wait3A_60 = tpu.memref_slice %arg4[%mul3A_2] : memref<320000xi32, #tpu.memory_space<hbm>> -> memref<4992xi32, #tpu.memory_space<hbm>>
    tpu.wait_dma2 semaphore(%arg14 : memref<!tpu.dma_semaphore, #tpu.memory_space<semaphore_mem>>) src(%dma_wait3A_60 : memref<4992xi32, #tpu.memory_space<hbm>>) dst(%dma_wait3A_59 : memref<4992xi32, #tpu.memory_space<vmem>>)
    %parallel_loop3A = arith.constant 0 : i32
    %parallel_loop3A_61 = arith.constant 312 : i32
    %parallel_loop3A_62 = arith.constant 1 : i32
    scf.for %parallel_loop3A_98 = %parallel_loop3A to %parallel_loop3A_61 step %parallel_loop3A_62  : i32 {
      %parallel_loop3A_99 = arith.constant 16 : i32
      %parallel_loop3A_100 = arith.muli %parallel_loop3A_98, %parallel_loop3A_99 : i32
      %parallel_loop3A_101 = arith.index_cast %parallel_loop3A_100 : i32 to index
      %parallel_loop3A_102 = tpu.vector_load %arg10[%parallel_loop3A_101] {strides = array<i32>} : memref<10000xi32, #tpu.memory_space<vmem>>, vector<16xi32>,
      %parallel_loop3A_103 = arith.constant 10000 : i32
      %parallel_loop3A_104 = vector.broadcast %parallel_loop3A_103 : i32 to vector<16xi32>
      %parallel_loop3A_105 = arith.muli %parallel_loop3A_102, %parallel_loop3A_104 : vector<16xi32>
      %parallel_loop3A_106 = arith.index_cast %parallel_loop3A_100 : i32 to index
      %parallel_loop3A_107 = tpu.vector_load %arg8[%parallel_loop3A_106] {strides = array<i32>} : memref<10000xi32, #tpu.memory_space<vmem>>, vector<16xi32>,
      %parallel_loop3A_108 = arith.addi %parallel_loop3A_105, %parallel_loop3A_107 : vector<16xi32>
      %parallel_loop3A_109 = tpu.vector_load_idx %arg11[%parallel_loop3A_108] : memref<20000xf32, #tpu.memory_space<vmem>>[vector<16xi32>], vector<16xf32>,
      %parallel_loop3A_110 = arith.index_cast %parallel_loop3A_100 : i32 to index
      %parallel_loop3A_111 = tpu.vector_load %arg9[%parallel_loop3A_110] {strides = array<i32>} : memref<10000xi32, #tpu.memory_space<vmem>>, vector<16xi32>,
      %parallel_loop3A_112 = arith.addi %parallel_loop3A_105, %parallel_loop3A_111 : vector<16xi32>
      %parallel_loop3A_113 = tpu.vector_load_idx %arg11[%parallel_loop3A_112] : memref<20000xf32, #tpu.memory_space<vmem>>[vector<16xi32>], vector<16xf32>,
      %parallel_loop3A_114 = arith.addf %parallel_loop3A_109, %parallel_loop3A_113 : vector<16xf32>
      %parallel_loop3A_115 = arith.index_cast %parallel_loop3A_100 : i32 to index
      %parallel_loop3A_116 = tpu.vector_load %arg10[%parallel_loop3A_115] {strides = array<i32>} : memref<10000xi32, #tpu.memory_space<vmem>>, vector<16xi32>,
      %parallel_loop3A_117 = tpu.vector_load_idx %arg12[%parallel_loop3A_116] : memref<2xf32, #tpu.memory_space<vmem>>[vector<16xi32>], vector<16xf32>,
      %parallel_loop3A_118 = arith.constant -7.500000e+01 : f32
      %parallel_loop3A_119 = arith.constant 7.500000e+01 : f32
      %parallel_loop3A_120 = vector.broadcast %parallel_loop3A_118 : f32 to vector<16xf32>
      %parallel_loop3A_121 = arith.maximumf %parallel_loop3A_120, %parallel_loop3A_114 : vector<16xf32>
      %parallel_loop3A_122 = vector.broadcast %parallel_loop3A_119 : f32 to vector<16xf32>
      %parallel_loop3A_123 = arith.minimumf %parallel_loop3A_122, %parallel_loop3A_121 : vector<16xf32>
      %parallel_loop3A_124 = math.exp %parallel_loop3A_123 : vector<16xf32>
      %parallel_loop3A_125 = arith.constant 1.000000e+00 : f32
      %parallel_loop3A_126 = vector.broadcast %parallel_loop3A_125 : f32 to vector<16xf32>
      %parallel_loop3A_127 = arith.addf %parallel_loop3A_126, %parallel_loop3A_124 : vector<16xf32>
      %parallel_loop3A_128 = vector.bitcast %parallel_loop3A_127 : vector<16xf32> to vector<16xi32>
      %parallel_loop3A_129 = arith.sitofp %parallel_loop3A_128 : vector<16xi32> to vector<16xf32>
      %parallel_loop3A_130 = arith.constant 8.26295832E-8 : f32
      %parallel_loop3A_131 = vector.broadcast %parallel_loop3A_130 : f32 to vector<16xf32>
      %parallel_loop3A_132 = arith.mulf %parallel_loop3A_129, %parallel_loop3A_131 : vector<16xf32>
      %parallel_loop3A_133 = arith.constant 87.9998626 : f32
      %parallel_loop3A_134 = vector.broadcast %parallel_loop3A_133 : f32 to vector<16xf32>
      %parallel_loop3A_135 = arith.subf %parallel_loop3A_132, %parallel_loop3A_134 : vector<16xf32>
      %parallel_loop3A_136 = arith.constant 1.000000e+00 : f32
      %parallel_loop3A_137 = vector.broadcast %parallel_loop3A_136 : f32 to vector<16xf32>
      %parallel_loop3A_138 = arith.subf %parallel_loop3A_135, %parallel_loop3A_137 : vector<16xf32>
      %parallel_loop3A_139 = arith.constant 0.000000e+00 : f32
      %parallel_loop3A_140 = vector.broadcast %parallel_loop3A_139 : f32 to vector<16xf32>
      %parallel_loop3A_141 = arith.subf %parallel_loop3A_140, %parallel_loop3A_135 : vector<16xf32>
      %parallel_loop3A_142 = math.exp %parallel_loop3A_141 : vector<16xf32>
      %parallel_loop3A_143 = arith.mulf %parallel_loop3A_127, %parallel_loop3A_142 : vector<16xf32>
      %parallel_loop3A_144 = arith.addf %parallel_loop3A_138, %parallel_loop3A_143 : vector<16xf32>
      %parallel_loop3A_145 = arith.mulf %parallel_loop3A_117, %parallel_loop3A_144 : vector<16xf32>
      %parallel_loop3A_146 = arith.index_cast %parallel_loop3A_100 : i32 to index
      %parallel_loop3A_147 = tpu.vector_load %arg13[%parallel_loop3A_146] {strides = array<i32>} : memref<10000xf32, #tpu.memory_space<vmem>>, vector<16xf32>,
      tpu.vector_store %arg13[%parallel_loop3A_146], %parallel_loop3A_145 {strides = array<i32>} : memref<10000xf32, #tpu.memory_space<vmem>>, vector<16xf32>,
    } {sc.loop_unroll_factor = 4 : i64, sc.parallel_access}
    %dma_start3A_63 = arith.constant 0 : i32
    %dma_start3A_64 = tpu.memref_slice %arg13[%dma_start3A_63] : memref<10000xf32, #tpu.memory_space<vmem>> -> memref<4992xf32, #tpu.memory_space<vmem>>
    %dma_start3A_65 = tpu.memref_slice %arg7[%mul3A_2] : memref<320000xf32, #tpu.memory_space<hbm>> -> memref<4992xf32, #tpu.memory_space<hbm>>
    %dma_start3A_66 = tpu.memref_slice %arg7[%mul3A_2] : memref<320000xf32, #tpu.memory_space<hbm>> -> memref<4992xf32, #tpu.memory_space<hbm>>
    %dma_start3A_67 = arith.constant 0 : i32
    %dma_start3A_68 = tpu.memref_slice %arg13[%dma_start3A_67] : memref<10000xf32, #tpu.memory_space<vmem>> -> memref<4992xf32, #tpu.memory_space<vmem>>
    tpu.enqueue_dma source(%dma_start3A_68 : memref<4992xf32, #tpu.memory_space<vmem>>) target(%dma_start3A_66 : memref<4992xf32, #tpu.memory_space<hbm>>) target_semaphore(%arg15 : memref<!tpu.dma_semaphore, #tpu.memory_space<semaphore_mem>>)
    %dma_wait3A_69 = arith.constant 4992 : i32
    %dma_wait3A_70 = tpu.memref_slice %arg8[%dma_wait3A_69] : memref<10000xi32, #tpu.memory_space<vmem>> -> memref<5008xi32, #tpu.memory_space<vmem>>
    %dma_wait3A_71 = tpu.memref_slice %arg2[%add3A_21] : memref<320000xi32, #tpu.memory_space<hbm>> -> memref<5008xi32, #tpu.memory_space<hbm>>
    %dma_wait3A_72 = arith.constant 4992 : i32
    %dma_wait3A_73 = tpu.memref_slice %arg8[%dma_wait3A_72] : memref<10000xi32, #tpu.memory_space<vmem>> -> memref<5008xi32, #tpu.memory_space<vmem>>
    %dma_wait3A_74 = tpu.memref_slice %arg2[%add3A_21] : memref<320000xi32, #tpu.memory_space<hbm>> -> memref<5008xi32, #tpu.memory_space<hbm>>
    tpu.wait_dma2 semaphore(%arg14 : memref<!tpu.dma_semaphore, #tpu.memory_space<semaphore_mem>>) src(%dma_wait3A_74 : memref<5008xi32, #tpu.memory_space<hbm>>) dst(%dma_wait3A_73 : memref<5008xi32, #tpu.memory_space<vmem>>)
    %dma_wait3A_75 = arith.constant 4992 : i32
    %dma_wait3A_76 = tpu.memref_slice %arg9[%dma_wait3A_75] : memref<10000xi32, #tpu.memory_space<vmem>> -> memref<5008xi32, #tpu.memory_space<vmem>>
    %dma_wait3A_77 = tpu.memref_slice %arg3[%add3A_29] : memref<320000xi32, #tpu.memory_space<hbm>> -> memref<5008xi32, #tpu.memory_space<hbm>>
    %dma_wait3A_78 = arith.constant 4992 : i32
    %dma_wait3A_79 = tpu.memref_slice %arg9[%dma_wait3A_78] : memref<10000xi32, #tpu.memory_space<vmem>> -> memref<5008xi32, #tpu.memory_space<vmem>>
    %dma_wait3A_80 = tpu.memref_slice %arg3[%add3A_29] : memref<320000xi32, #tpu.memory_space<hbm>> -> memref<5008xi32, #tpu.memory_space<hbm>>
    tpu.wait_dma2 semaphore(%arg14 : memref<!tpu.dma_semaphore, #tpu.memory_space<semaphore_mem>>) src(%dma_wait3A_80 : memref<5008xi32, #tpu.memory_space<hbm>>) dst(%dma_wait3A_79 : memref<5008xi32, #tpu.memory_space<vmem>>)
    %dma_wait3A_81 = arith.constant 4992 : i32
    %dma_wait3A_82 = tpu.memref_slice %arg10[%dma_wait3A_81] : memref<10000xi32, #tpu.memory_space<vmem>> -> memref<5008xi32, #tpu.memory_space<vmem>>
    %dma_wait3A_83 = tpu.memref_slice %arg4[%add3A_37] : memref<320000xi32, #tpu.memory_space<hbm>> -> memref<5008xi32, #tpu.memory_space<hbm>>
    %dma_wait3A_84 = arith.constant 4992 : i32
    %dma_wait3A_85 = tpu.memref_slice %arg10[%dma_wait3A_84] : memref<10000xi32, #tpu.memory_space<vmem>> -> memref<5008xi32, #tpu.memory_space<vmem>>
    %dma_wait3A_86 = tpu.memref_slice %arg4[%add3A_37] : memref<320000xi32, #tpu.memory_space<hbm>> -> memref<5008xi32, #tpu.memory_space<hbm>>
    tpu.wait_dma2 semaphore(%arg14 : memref<!tpu.dma_semaphore, #tpu.memory_space<semaphore_mem>>) src(%dma_wait3A_86 : memref<5008xi32, #tpu.memory_space<hbm>>) dst(%dma_wait3A_85 : memref<5008xi32, #tpu.memory_space<vmem>>)
    %parallel_loop3A_87 = arith.constant 312 : i32
    %parallel_loop3A_88 = arith.constant 625 : i32
    %parallel_loop3A_89 = arith.constant 1 : i32
    scf.for %parallel_loop3A_98 = %parallel_loop3A_87 to %parallel_loop3A_88 step %parallel_loop3A_89  : i32 {
      %parallel_loop3A_99 = arith.constant 16 : i32
      %parallel_loop3A_100 = arith.muli %parallel_loop3A_98, %parallel_loop3A_99 : i32
      %parallel_loop3A_101 = arith.index_cast %parallel_loop3A_100 : i32 to index
      %parallel_loop3A_102 = tpu.vector_load %arg10[%parallel_loop3A_101] {strides = array<i32>} : memref<10000xi32, #tpu.memory_space<vmem>>, vector<16xi32>,
      %parallel_loop3A_103 = arith.constant 10000 : i32
      %parallel_loop3A_104 = vector.broadcast %parallel_loop3A_103 : i32 to vector<16xi32>
      %parallel_loop3A_105 = arith.muli %parallel_loop3A_102, %parallel_loop3A_104 : vector<16xi32>
      %parallel_loop3A_106 = arith.index_cast %parallel_loop3A_100 : i32 to index
      %parallel_loop3A_107 = tpu.vector_load %arg8[%parallel_loop3A_106] {strides = array<i32>} : memref<10000xi32, #tpu.memory_space<vmem>>, vector<16xi32>,
      %parallel_loop3A_108 = arith.addi %parallel_loop3A_105, %parallel_loop3A_107 : vector<16xi32>
      %parallel_loop3A_109 = tpu.vector_load_idx %arg11[%parallel_loop3A_108] : memref<20000xf32, #tpu.memory_space<vmem>>[vector<16xi32>], vector<16xf32>,
      %parallel_loop3A_110 = arith.index_cast %parallel_loop3A_100 : i32 to index
      %parallel_loop3A_111 = tpu.vector_load %arg9[%parallel_loop3A_110] {strides = array<i32>} : memref<10000xi32, #tpu.memory_space<vmem>>, vector<16xi32>,
      %parallel_loop3A_112 = arith.addi %parallel_loop3A_105, %parallel_loop3A_111 : vector<16xi32>
      %parallel_loop3A_113 = tpu.vector_load_idx %arg11[%parallel_loop3A_112] : memref<20000xf32, #tpu.memory_space<vmem>>[vector<16xi32>], vector<16xf32>,
      %parallel_loop3A_114 = arith.addf %parallel_loop3A_109, %parallel_loop3A_113 : vector<16xf32>
      %parallel_loop3A_115 = arith.index_cast %parallel_loop3A_100 : i32 to index
      %parallel_loop3A_116 = tpu.vector_load %arg10[%parallel_loop3A_115] {strides = array<i32>} : memref<10000xi32, #tpu.memory_space<vmem>>, vector<16xi32>,
      %parallel_loop3A_117 = tpu.vector_load_idx %arg12[%parallel_loop3A_116] : memref<2xf32, #tpu.memory_space<vmem>>[vector<16xi32>], vector<16xf32>,
      %parallel_loop3A_118 = arith.constant -7.500000e+01 : f32
      %parallel_loop3A_119 = arith.constant 7.500000e+01 : f32
      %parallel_loop3A_120 = vector.broadcast %parallel_loop3A_118 : f32 to vector<16xf32>
      %parallel_loop3A_121 = arith.maximumf %parallel_loop3A_120, %parallel_loop3A_114 : vector<16xf32>
      %parallel_loop3A_122 = vector.broadcast %parallel_loop3A_119 : f32 to vector<16xf32>
      %parallel_loop3A_123 = arith.minimumf %parallel_loop3A_122, %parallel_loop3A_121 : vector<16xf32>
      %parallel_loop3A_124 = math.exp %parallel_loop3A_123 : vector<16xf32>
      %parallel_loop3A_125 = arith.constant 1.000000e+00 : f32
      %parallel_loop3A_126 = vector.broadcast %parallel_loop3A_125 : f32 to vector<16xf32>
      %parallel_loop3A_127 = arith.addf %parallel_loop3A_126, %parallel_loop3A_124 : vector<16xf32>
      %parallel_loop3A_128 = vector.bitcast %parallel_loop3A_127 : vector<16xf32> to vector<16xi32>
      %parallel_loop3A_129 = arith.sitofp %parallel_loop3A_128 : vector<16xi32> to vector<16xf32>
      %parallel_loop3A_130 = arith.constant 8.26295832E-8 : f32
      %parallel_loop3A_131 = vector.broadcast %parallel_loop3A_130 : f32 to vector<16xf32>
      %parallel_loop3A_132 = arith.mulf %parallel_loop3A_129, %parallel_loop3A_131 : vector<16xf32>
      %parallel_loop3A_133 = arith.constant 87.9998626 : f32
      %parallel_loop3A_134 = vector.broadcast %parallel_loop3A_133 : f32 to vector<16xf32>
      %parallel_loop3A_135 = arith.subf %parallel_loop3A_132, %parallel_loop3A_134 : vector<16xf32>
      %parallel_loop3A_136 = arith.constant 1.000000e+00 : f32
      %parallel_loop3A_137 = vector.broadcast %parallel_loop3A_136 : f32 to vector<16xf32>
      %parallel_loop3A_138 = arith.subf %parallel_loop3A_135, %parallel_loop3A_137 : vector<16xf32>
      %parallel_loop3A_139 = arith.constant 0.000000e+00 : f32
      %parallel_loop3A_140 = vector.broadcast %parallel_loop3A_139 : f32 to vector<16xf32>
      %parallel_loop3A_141 = arith.subf %parallel_loop3A_140, %parallel_loop3A_135 : vector<16xf32>
      %parallel_loop3A_142 = math.exp %parallel_loop3A_141 : vector<16xf32>
      %parallel_loop3A_143 = arith.mulf %parallel_loop3A_127, %parallel_loop3A_142 : vector<16xf32>
      %parallel_loop3A_144 = arith.addf %parallel_loop3A_138, %parallel_loop3A_143 : vector<16xf32>
      %parallel_loop3A_145 = arith.mulf %parallel_loop3A_117, %parallel_loop3A_144 : vector<16xf32>
      %parallel_loop3A_146 = arith.index_cast %parallel_loop3A_100 : i32 to index
      %parallel_loop3A_147 = tpu.vector_load %arg13[%parallel_loop3A_146] {strides = array<i32>} : memref<10000xf32, #tpu.memory_space<vmem>>, vector<16xf32>,
      tpu.vector_store %arg13[%parallel_loop3A_146], %parallel_loop3A_145 {strides = array<i32>} : memref<10000xf32, #tpu.memory_space<vmem>>, vector<16xf32>,
    } {sc.loop_unroll_factor = 4 : i64, sc.parallel_access}
    %add3A_90 = arith.constant 4992 : i32
    %add3A_91 = arith.addi %mul3A_2, %add3A_90 : i32
    "tpu.region"() ({
      %run_scoped3A = tpu.sem_alloc : memref<!tpu.dma_semaphore, #tpu.memory_space<semaphore_mem>>
      %dma_start3A_98 = arith.constant 4992 : i32
      %dma_start3A_99 = tpu.memref_slice %arg13[%dma_start3A_98] : memref<10000xf32, #tpu.memory_space<vmem>> -> memref<5008xf32, #tpu.memory_space<vmem>>
      %dma_start3A_100 = tpu.memref_slice %arg7[%add3A_91] : memref<320000xf32, #tpu.memory_space<hbm>> -> memref<5008xf32, #tpu.memory_space<hbm>>
      %dma_start3A_101 = tpu.memref_slice %arg7[%add3A_91] : memref<320000xf32, #tpu.memory_space<hbm>> -> memref<5008xf32, #tpu.memory_space<hbm>>
      %dma_start3A_102 = arith.constant 4992 : i32
      %dma_start3A_103 = tpu.memref_slice %arg13[%dma_start3A_102] : memref<10000xf32, #tpu.memory_space<vmem>> -> memref<5008xf32, #tpu.memory_space<vmem>>
      tpu.enqueue_dma source(%dma_start3A_103 : memref<5008xf32, #tpu.memory_space<vmem>>) target(%dma_start3A_101 : memref<5008xf32, #tpu.memory_space<hbm>>) target_semaphore(%run_scoped3A : memref<!tpu.dma_semaphore, #tpu.memory_space<semaphore_mem>>)
      %dma_wait3A_104 = arith.constant 4992 : i32
      %dma_wait3A_105 = tpu.memref_slice %arg13[%dma_wait3A_104] : memref<10000xf32, #tpu.memory_space<vmem>> -> memref<5008xf32, #tpu.memory_space<vmem>>
      %dma_wait3A_106 = tpu.memref_slice %arg7[%add3A_91] : memref<320000xf32, #tpu.memory_space<hbm>> -> memref<5008xf32, #tpu.memory_space<hbm>>
      %dma_wait3A_107 = tpu.memref_slice %arg7[%add3A_91] : memref<320000xf32, #tpu.memory_space<hbm>> -> memref<5008xf32, #tpu.memory_space<hbm>>
      %dma_wait3A_108 = arith.constant 4992 : i32
      %dma_wait3A_109 = tpu.memref_slice %arg13[%dma_wait3A_108] : memref<10000xf32, #tpu.memory_space<vmem>> -> memref<5008xf32, #tpu.memory_space<vmem>>
      tpu.wait_dma2 semaphore(%run_scoped3A : memref<!tpu.dma_semaphore, #tpu.memory_space<semaphore_mem>>) src(%dma_wait3A_109 : memref<5008xf32, #tpu.memory_space<vmem>>) dst(%dma_wait3A_107 : memref<5008xf32, #tpu.memory_space<hbm>>)
      tpu.yield
    }) : () -> ()
    %dma_wait3A_92 = arith.constant 0 : i32
    %dma_wait3A_93 = tpu.memref_slice %arg13[%dma_wait3A_92] : memref<10000xf32, #tpu.memory_space<vmem>> -> memref<4992xf32, #tpu.memory_space<vmem>>
    %dma_wait3A_94 = tpu.memref_slice %arg7[%mul3A_2] : memref<320000xf32, #tpu.memory_space<hbm>> -> memref<4992xf32, #tpu.memory_space<hbm>>
    %dma_wait3A_95 = tpu.memref_slice %arg7[%mul3A_2] : memref<320000xf32, #tpu.memory_space<hbm>> -> memref<4992xf32, #tpu.memory_space<hbm>>
    %dma_wait3A_96 = arith.constant 0 : i32
    %dma_wait3A_97 = tpu.memref_slice %arg13[%dma_wait3A_96] : memref<10000xf32, #tpu.memory_space<vmem>> -> memref<4992xf32, #tpu.memory_space<vmem>>
    tpu.wait_dma2 semaphore(%arg15 : memref<!tpu.dma_semaphore, #tpu.memory_space<semaphore_mem>>) src(%dma_wait3A_97 : memref<4992xf32, #tpu.memory_space<vmem>>) dst(%dma_wait3A_95 : memref<4992xf32, #tpu.memory_space<hbm>>)
    return
  }
}

module attributes {stable_mosaic.version = 14 : i64} {
  func.func @_table_body(%arg0: memref<10000x128xf32, #tpu.memory_space<vmem>>, %arg1: memref<2x256xf32, #tpu.memory_space<vmem>>, %arg2: memref<2xf32, #tpu.memory_space<smem>>, %arg3: memref<2xf32, #tpu.memory_space<smem>>, %arg4: memref<20000xf32, #tpu.memory_space<vmem>>) attributes {dimension_semantics = [], scalar_prefetch = 0 : i64, scratch_operands = 0 : i64, tpu.core_type = #tpu.core_type<tc>} {
    %get3A = arith.constant 0 : index
    %get3A_0 = arith.constant 0 : index
    %get3A_1 = vector.load %arg1[%get3A, %get3A_0] : memref<2x256xf32, #tpu.memory_space<vmem>>, vector<2x256xf32>
    %slice3A = vector.extract_strided_slice %get3A_1 {offsets = [0, 0], sizes = [2, 128], strides = [1, 1]} : vector<2x256xf32> to vector<2x128xf32>
    %slice3A_2 = vector.extract_strided_slice %get3A_1 {offsets = [0, 128], sizes = [2, 128], strides = [1, 1]} : vector<2x256xf32> to vector<2x128xf32>
    %add3A = arith.addf %slice3A, %slice3A_2 : vector<2x128xf32>
    %mul3A = arith.constant 5.000000e-01 : f32
    %mul3A_3 = vector.broadcast %mul3A : f32 to vector<2x128xf32>
    %mul3A_4 = arith.mulf %mul3A_3, %add3A : vector<2x128xf32>
    %get3A_5 = arith.constant 0 : index
    %get3A_6 = arith.constant 0 : index
    %get3A_7 = vector.load %arg0[%get3A_5, %get3A_6] : memref<10000x128xf32, #tpu.memory_space<vmem>>, vector<10000x128xf32>
    %dot_general3A = arith.constant dense<0.000000e+00> : vector<2x10000xf32>
    %dot_general3A_8 = tpu.matmul %mul3A_4, %get3A_7, %dot_general3A {dimension_numbers = #tpu.dot_dimension_numbers<[1], [1], [0], [0], [0, 0, 1, 0], [], []>, transpose_lhs_hint = false} : vector<2x128xf32>, vector<10000x128xf32>, vector<2x10000xf32> -> vector<2x10000xf32>
    %slice3A_9 = vector.extract_strided_slice %dot_general3A_8 {offsets = [0, 0], sizes = [1, 10000], strides = [1, 1]} : vector<2x10000xf32> to vector<1x10000xf32>
    %squeeze3A = vector.shape_cast %slice3A_9 : vector<1x10000xf32> to vector<10000xf32>
    %get3A_10 = arith.constant 0 : index
    %get3A_11 = memref.load %arg2[%get3A_10] : memref<2xf32, #tpu.memory_space<smem>>
    %mul3A_12 = arith.constant 5.000000e-01 : f32
    %mul3A_13 = arith.mulf %mul3A_12, %get3A_11 : f32
    %add3A_14 = vector.broadcast %mul3A_13 : f32 to vector<10000xf32>
    %add3A_15 = arith.addf %squeeze3A, %add3A_14 : vector<10000xf32>
    %get3A_16 = arith.constant 0 : index
    %get3A_17 = memref.load %arg3[%get3A_16] : memref<2xf32, #tpu.memory_space<smem>>
    %div3A = vector.broadcast %get3A_17 : f32 to vector<10000xf32>
    %div3A_18 = arith.divf %add3A_15, %div3A : vector<10000xf32>
    %swap3A = arith.constant 0 : index
    %swap3A_19 = vector.load %arg4[%swap3A] : memref<20000xf32, #tpu.memory_space<vmem>>, vector<10000xf32>
    tpu.vector_store %arg4[%swap3A], %div3A_18 {strides = array<i32>} : memref<20000xf32, #tpu.memory_space<vmem>>, vector<10000xf32>,
    %slice3A_20 = vector.extract_strided_slice %dot_general3A_8 {offsets = [1, 0], sizes = [1, 10000], strides = [1, 1]} : vector<2x10000xf32> to vector<1x10000xf32>
    %squeeze3A_21 = vector.shape_cast %slice3A_20 : vector<1x10000xf32> to vector<10000xf32>
    %get3A_22 = arith.constant 1 : index
    %get3A_23 = memref.load %arg2[%get3A_22] : memref<2xf32, #tpu.memory_space<smem>>
    %mul3A_24 = arith.constant 5.000000e-01 : f32
    %mul3A_25 = arith.mulf %mul3A_24, %get3A_23 : f32
    %add3A_26 = vector.broadcast %mul3A_25 : f32 to vector<10000xf32>
    %add3A_27 = arith.addf %squeeze3A_21, %add3A_26 : vector<10000xf32>
    %get3A_28 = arith.constant 1 : index
    %get3A_29 = memref.load %arg3[%get3A_28] : memref<2xf32, #tpu.memory_space<smem>>
    %div3A_30 = vector.broadcast %get3A_29 : f32 to vector<10000xf32>
    %div3A_31 = arith.divf %add3A_27, %div3A_30 : vector<10000xf32>
    %swap3A_32 = arith.constant 10000 : index
    %swap3A_33 = vector.load %arg4[%swap3A_32] : memref<20000xf32, #tpu.memory_space<vmem>>, vector<10000xf32>
    tpu.vector_store %arg4[%swap3A_32], %div3A_31 {strides = array<i32>} : memref<20000xf32, #tpu.memory_space<vmem>>, vector<10000xf32>,
    return
  }
}

</mosaic_0001>

<sc_bundles>
// kernel: kernel.4.cloned.1.call-start
scs
__scs_entry_jumppad:
0x0: {  	(pc) =	sbr.rel $0x88, $3  }
0x1: {  	(tag) =	ssettag $0x0;
	lr =	simm.s32 $0x1  }
0x2: {  	[smem:$0x3F9A] =	sst lr;
	_ =	strace $0xD0000000  }
0x3: {  	_ = 	snop  }
0x4: {  	_ = 	snop  }
0x5: {  	_ = 	snop  }
0x6: {  	_ = 	snop  }
0x7: {  	_ = 	snop  }
__scs_overlays_trampoline_lowered:
0x8: {  	[smem:$0x3FA9] =	sst s0  }
0x9: {  	[smem:$0x3FAA] =	sst s1  }
0xa: {  	[smem:$0x3FAB] =	sst s2  }
0xb: {  	[smem:$0x3FAC] =	sst s3  }
0xc: {  	[smem:$0x3FAD] =	sst s4  }
0xd: {  	[smem:$0x3FAE] =	sst s5  }
0xe: {  	[smem:$0x3FAF] =	sst s6  }
0xf: {  	[smem:$0x3FB0] =	sst s7  }
0x10: {  	[smem:$0x3FB1] =	sst s8  }
0x11: {  	[smem:$0x3FB2] =	sst s9;
	s0 =	simm.s32 @!p0 $0x0  }
0x12: {  	s1 =	sld [smem:$0x3F98];
	s0 =	simm.s32 @p0 $0x1  }
0x13: {  	[smem:$0x3FB3] =	sst s0;
	s0 =	simm.s32 @!p1 $0x0  }
0x14: {  	s2 =	sld [smem:$0x3F97];
	s0 =	simm.s32 @p1 $0x1  }
0x15: {  	[smem:$0x3FB4] =	sst s0;
	s0 =	simm.s32 @!p2 $0x0  }
0x16: {  	s3 =	sld [smem:$0x3FDB];
	s0 =	simm.s32 @p2 $0x1  }
0x17: {  	s4 =	simm.s32 $0x1BF5;
	[smem:$0x3FB6] =	sst s0  }
0x18: {  	s0 =	sld [smem:$0x3F99];
	_ =	swait.ge [sflag:s4], $0x0  }
0x19: {  	s7 =	sld [smem:$0x3F9A]  }
0x1a: {  	s8 =	sadd.s32 $0xFFFFE003, lr  }
0x1b: {  	s9 =	sadd.s32 $0xFFFFFEF7, lr;
	s5 =	simm.s32 $0xFFFFFFFF;
	p2 =	slt.u32 s8, $0xFFFFF086  }
0x1c: {  	p1 =	slt.u32 s9, $0xF7A;
	s5 =	simm.s32 @!p2 $0x0  }
0x1d: {  	s5 =	simm.s32 @p1 $0x1;
	p0 =	seq.s32 s7, s2  }
0x1e: {  	s7 =	smul.u32 @!p0 $0xF7A, s2;
	p2 =	seq.s32 @!p0 s5, $0x0  }
0x1f: {  	s9 =	smul.u32 $0xF7A, s1;
	s8 =	simm.s32 @!p0 $0x1BF5;
	p2 =	por !p2, p0  }
0x20: {  	[sflag:s8] =	ssyncset.s32 @!p0 $0xFFFFF086;
	s6 =	sadd.s32 @!p0 s3, s7;
	s7 =	simm.s32 @!p0 $0x108  }
0x21: {  	s3 =	sadd.s32 s3, s9;
	s6 =	sadd.s32 @!p0 $0x88, s6;
	s7 =	simm.s32 @p2 $0x1082  }
0x22: {  	[simem:s7], [sflag:s8] =	dma.local @!p0 [hbm:s6], $0xF7A  }
0x23: {  	s9 =	sor.u32 $0xD0000000, s2;
	s6 =	simm.s32 $0x108;
	_ =	swait.ge @!p0 [sflag:s8], $0x0  }
0x24: {  	s3 =	sadd.s32 $0x88, s3;
	s6 =	simm.s32 @!p1 $0x1082;
	[sflag:s4] =	ssyncset.s32 $0xFFFFF086  }
0x25: {  	[simem:s6], [sflag:s4] =	dma.local [hbm:s3], $0xF7A  }
0x26: {  	[smem:$0x3F9A] =	sst s1;
	(tag) =	ssettag s2;
	_ =	strace s9  }
0x27: {  	s1 =	sld [smem:$0x3FAA]  }
0x28: {  	s2 =	sld [smem:$0x3FAB]  }
0x29: {  	s4 =	sld [smem:$0x3FAD]  }
0x2a: {  	p0 =	seq.s32 s5, $0x0;
	s5 =	sld [smem:$0x3FAE]  }
0x2b: {  	s6 =	sld [smem:$0x3FAF]  }
0x2c: {  	s7 =	sld [smem:$0x3FB0]  }
0x2d: {  	s3 =	simm.s32 $0x108;
	s8 =	sld [smem:$0x3FB1]  }
0x2e: {  	s3 =	simm.s32 @!p0 $0x1082;
	s9 =	sld [smem:$0x3FB2]  }
0x2f: {  	lr =	sadd.s32 s0, s3;
	s0 =	sld [smem:$0x3FA9]  }
0x30: {  	s3 =	sld [smem:$0x3FAC]  }
0x31: {  	[smem:$0x3FB5] =	sst s10  }
0x32: {  	s10 =	sld [smem:$0x3FB3];
	_ =	sdelay $0x3  }
0x33: {  	p0 =	seq.s32 s10, $0x1;
	s10 =	sld [smem:$0x3FB5];
	_ =	sdelay $0x3  }
0x34: {  	[smem:$0x3FB5] =	sst s10  }
0x35: {  	s10 =	sld [smem:$0x3FB4];
	_ =	sdelay $0x3  }
0x36: {  	p1 =	seq.s32 s10, $0x1;
	s10 =	sld [smem:$0x3FB5];
	_ =	sdelay $0x3  }
0x37: {  	[smem:$0x3FB5] =	sst s10  }
0x38: {  	s10 =	sld [smem:$0x3FB6]  }
0x39: {  	_ = 	snop;
	(pc) =	sbr.ind lr, $3  }
0x3a: {  	_ = 	snop  }
0x3b: {  	_ = 	snop  }
0x3c: {  	p2 =	seq.s32 s10, $0x1;
	s10 =	sld [smem:$0x3FB5]  }
0x3d: {  	_ =	shalt  }
0x3e: {  	_ =	shalt  }
0x3f: {  	_ =	shalt  }
0x40: {  	_ =	shalt  }
0x41: {  	_ =	shalt  }
0x42: {  	_ =	shalt  }
0x43: {  	_ =	shalt  }
0x44: {  	_ =	shalt  }
0x45: {  	_ =	shalt  }
0x46: {  	_ =	shalt  }
0x47: {  	_ =	shalt  }
0x48: {  	_ =	shalt  }
0x49: {  	_ =	shalt  }
0x4a: {  	_ =	shalt  }
0x4b: {  	_ =	shalt  }
0x4c: {  	_ =	shalt  }
0x4d: {  	_ =	shalt  }
0x4e: {  	_ =	shalt  }
0x4f: {  	_ =	shalt  }
0x50: {  	_ =	shalt  }
0x51: {  	_ =	shalt  }
0x52: {  	_ =	shalt  }
0x53: {  	_ =	shalt  }
0x54: {  	_ =	shalt  }
0x55: {  	_ =	shalt  }
0x56: {  	_ =	shalt  }
0x57: {  	_ =	shalt  }
0x58: {  	_ =	shalt  }
0x59: {  	_ =	shalt  }
0x5a: {  	_ =	shalt  }
0x5b: {  	_ =	shalt  }
0x5c: {  	_ =	shalt  }
0x5d: {  	_ =	shalt  }
0x5e: {  	_ =	shalt  }
0x5f: {  	_ =	shalt  }
0x60: {  	_ =	shalt  }
0x61: {  	_ =	shalt  }
0x62: {  	_ =	shalt  }
0x63: {  	_ =	shalt  }
0x64: {  	_ =	shalt  }
0x65: {  	_ =	shalt  }
0x66: {  	_ =	shalt  }
0x67: {  	_ =	shalt  }
0x68: {  	_ =	shalt  }
0x69: {  	_ =	shalt  }
0x6a: {  	_ =	shalt  }
0x6b: {  	_ =	shalt  }
0x6c: {  	_ =	shalt  }
0x6d: {  	_ =	shalt  }
0x6e: {  	_ =	shalt  }
0x6f: {  	_ =	shalt  }
0x70: {  	_ =	shalt  }
0x71: {  	_ =	shalt  }
0x72: {  	_ =	shalt  }
0x73: {  	_ =	shalt  }
0x74: {  	_ =	shalt  }
0x75: {  	_ =	shalt  }
0x76: {  	_ =	shalt  }
0x77: {  	_ =	shalt  }
0x78: {  	_ =	shalt  }
0x79: {  	_ =	shalt  }
0x7a: {  	_ =	shalt  }
0x7b: {  	_ =	shalt  }
0x7c: {  	_ =	shalt  }
0x7d: {  	_ =	shalt  }
0x7e: {  	_ =	shalt  }
0x7f: {  	_ =	shalt  }
0x80: {  	_ =	shalt  }
0x81: {  	_ =	shalt  }
0x82: {  	_ =	shalt  }
0x83: {  	_ =	shalt  }
0x84: {  	_ =	shalt  }
0x85: {  	_ =	shalt  }
0x86: {  	_ =	shalt  }
0x87: {  	_ =	shalt  }
.Lfunc_end0:
.L_simem_size_0:
called_computation_lowered:
.L_overlay_start_0:
0x88: {  	s2 =	sld [smem:$0x3FD9]  }
0x89: {  	s3 =	sld [smem:$0x3FFE];
	_ =	sdelay $0x1  }
0x8a: {  	s1 =	srdreg.scid  }
0x8b: {  	s0 =	sand.u32 $0x1, s1  }
0x8c: {  	s17 =	sshll.u32 s0, $0xA;
	s2 =	sadd.s32 s3, s2  }
0x8d: {  	s2 =	sadd.s32 s2, s17  }
0x8e: {  	[smem:$0x3FC1] =	sst s2  }
0x8f: {  	_ = 	snop  }
0x90: {  	s2 =	sld [smem:$0x3FC6]  }
0x91: {  	s18 =	sld [smem:$0x3FC5]  }
0x92: {  	s4 =	sld [smem:$0x3FC4]  }
0x93: {  	s5 =	sld [smem:$0x3FC3]  }
0x94: {  	s6 =	sld [smem:$0x3FD0];
	(tm) =	ssettm $0x1  }
0x95: {  	s7 =	sld [smem:$0x3FFB];
	_ =	sdelay $0x3  }
0x96: {  	_ =	strace s7  }
0x97: {  	s7 =	sld [smem:$0x3FFC];
	_ =	sdelay $0x3  }
0x98: {  	_ =	strace s7  }
0x99: {  	s7 =	sld [smem:$0x3FFD];
	_ =	sdelay $0x3  }
0x9a: {  	_ =	strace s7  }
0x9b: {  	_ =	strace $0x8FFFFFFF  }
0x9c: {  	s19 =	sld [smem:$0x3FDB];
	_ =	sdelay $0x1  }
0x9d: {  	s8 =	simm.s32 $_scs_section_size  }
0x9e: {  	s9 =	simm.s32 $_size__tile_overlayer_lowered;
	s10 =	simm.s32 $_tile_overlayer_lowered  }
0x9f: {  	s22 =	simm.s32 $0x1BFF;
	s21 =	sshll.u32 s10, $0x1;
	s7 =	sadd.s32 s8, s19  }
0xa0: {  	s11 =	simm.s32 $0x0;
	s20 =	sshll.u32 s9, $0x1;
	s9 =	sadd.s32 s21, s7  }
0xa1: {  	[timem:s11], [sflag:s22] =	dma.local [hbm:s9], s20  }
0xa2: {  	_ =	swait.ge [sflag:s22], s20  }
0xa3: {  	s8 =	ssub.s32 $0x0, s20;
	[sflag:s22] =	ssyncset.done $0x0  }
0xa4: {  	[sflag:s22] =	ssyncadd.s32 s8;
	_ =	sdelay $0x1  }
0xa5: {  	s23 =	simm.s32 $0x1B8B  }
0xa6: {  	_ =	swait.ge [sflag:s23], $0x1  }
0xa7: {  	[sflag:s23] =	ssyncset.done $0x0  }
0xa8: {  	s25 =	simm.s32 $0x1B8E;
	s24 =	sld [smem:$0x3FFE];
	[sflag:s23] =	ssyncadd.s32 $0xFFFFFFFF  }
0xa9: {  	s26 =	simm.s32 $execute0_lowered;
	[smem:$0x3FD2] =	sst s25  }
0xaa: {  	s9 =	sshll.u32 s26, $0x1;
	_ =	strace $0x80000046;
	[dreg:$0x1] =	wrdreg $0xFFFFFFFF  }
0xab: {  	s28 =	simm.s32 $_size_execute0_lowered;
	s7 =	sadd.s32 s7, s9;
	[dreg:$0x0] =	wrdreg $0x0  }
0xac: {  	s9 =	sshll.u32 s28, $0x1;
	[dreg:$0x2] =	wrdreg s7  }
0xad: {  	[dreg:$0x3] =	wrdreg s9  }
0xae: {  	[dreg:$0x4] =	wrdreg $0xC0  }
0xaf: {  	_ =	task [dreg:s11], $0x5FFFF  }
0xb0: {  	[dreg:$0x1] =	wrdreg $0xFFFFFFFF  }
0xb1: {  	[dreg:$0x0] =	wrdreg $0x60  }
0xb2: {  	[dreg:$0x2] =	wrdreg s18  }
0xb3: {  	[dreg:$0x3] =	wrdreg s4  }
0xb4: {  	[dreg:$0x4] =	wrdreg s5  }
0xb5: {  	[dreg:$0x5] =	wrdreg s24  }
0xb6: {  	[dreg:$0x6] =	wrdreg s2  }
0xb7: {  	[dreg:$0x7] =	wrdreg s6  }
0xb8: {  	[dreg:$0x8] =	wrdreg $0x9  }
0xb9: {  	_ =	task.clear_ibuf [dreg:s11], $0x9FFFF;
	_ =	strace $0x90000046  }
0xba: {  	s29 =	simm.s32 $0x9;
	_ =	strace $0x80000048  }
0xbb: {  	_ =	swait.ge [sflag:s29], $0x1  }
0xbc: {  	[sflag:s29] =	ssyncadd.s32 $0xFFFFFFFF  }
0xbd: {  	_ =	strace $0x90000048  }
0xbe: {  	_ =	sfence  }
0xbf: {  	s30 =	sld [smem:$0x0];
	_ =	sdelay $0x2  }
0xc0: {  	s31 =	sshll.u32 s1, $0xD;
	s1 =	sshrl.u32 s1, $0x2  }
0xc1: {  	s3 =	sand.u32 $0x4000, s31;
	s1 =	sadd.s32 s1, s30  }
0xc2: {  	s0 =	sor.u32 s3, s0;
	s1 =	sshll.u32 s1, $0x11  }
0xc3: {  	s0 =	sor.u32 s1, s0  }
0xc4: {  	s0 =	sadd.s32 $0x8F2B, s0  }
0xc5: {  	[sflag:s0] =	ssyncadd.remote.s32 $0x1  }
0xc6: {  	_ =	sfence.sel $0xFFFF  }
0xc7: {  	[dreg:$0x0] =	wrdreg $0xFFFFFFFF;
	(pc) =	sbr.abs _section_cstart, $3  }
0xc8: {  	[dreg:$0x1] =	wrdreg $0xFFFFFFFF  }
0xc9: {  	_ =	task.clear_ibuf [dreg:s11], $0x2FFFF;
	_ =	strace $0x9FFFFFFF  }
0xca: {  	(tm) =	ssettm $0x7FFFFFFF  }
0xcb: {  	_ =	shalt  }
tec
execute0_lowered:
.L_overlay_start_1:
0x0: {  	(tag) =	ssettag $0x1  }
0x1: {  	s0 =	rddreg [dreg:$0x0]  }
0x2: {  	s1 =	rddreg [dreg:$0x1]  }
0x3: {  	s10 =	rddreg [dreg:$0x2]  }
0x4: {  	s4 =	rddreg [dreg:$0x3]  }
0x5: {  	s2 =	rddreg [dreg:$0x4]  }
0x6: {  	s3 =	srdreg.scid;
	s6 =	stileid.u32  }
0x7: {  	s12 =	rddreg [dreg:$0x5];
	s15 =	simm.s32 $0xC500;
	s16 =	simm.s32 $0x2780  }
0x8: {  	s17 =	simm.s32 $0x4F00;
	s18 =	simm.s32 $0x1380;
	s19 =	simm.s32 $0x3B00  }
0x9: {  	s20 =	simm.s32 $0x6280;
	s21 =	simm.s32 $0x1;
	s22 =	simm.s32 $0xC580  }
0xa: {  	s23 =	simm.s32 $0xD900;
	s5 =	sand.u32 $0x1, s3;
	s6 =	sshll.u32 s6, $0x1  }
0xb: {  	s24 =	simm.s32 $0x3;
	s25 =	simm.s32 $0x2;
	s6 =	sor.u32 s5, s6  }
0xc: {  	s26 =	simm.s32 $0x0;
	s5 =	ssub.s32 $0x2, s5;
	s6 =	smul.u32 $0x2710, s6  }
0xd: {  	s3 =	simm.s32 $0x0;
	s4 =	sadd.s32 $0xE00, s4;
	s7 =	sshrl.u32 s5, $0x1  }
0xe: {  	[smem:$0x7FF] =	sst s3;
	s13 =	ssub.s32 s5, s7;
	s11 =	sshrl.u32 s6, $0x3  }
0xf: {  	_ =	strace $0x80000047;
	s13 =	smax.u32 s13, $0x1;
	s5 =	sadd.s32 s0, s11  }
0x10: {  	s14 =	sadd.s32 $0x270, s11;
	s6 =	sadd.s32 s1, s11;
	s7 =	sadd.s32 s10, s11  }
0x11: {  	s11 =	sadd.s32 s12, s11;
	s8 =	sadd.s32 s0, s14;
	s9 =	sadd.s32 s1, s14  }
0x12: {  	s10 =	sadd.s32 s10, s14;
	s12 =	sadd.s32 s12, s14;
	s14 =	simm.s32 $0x7680  }
.LBB2_1:
0x13: {  	[tilespmem:s14], [sflag:$0x1] =	stream.linear.gather [hbm4b:s4+s3], $0x4E80, $0x38;
	[tilespmem:$0xED00] =	vst v63  }
0x14: {  	_ = 	snop  }
0x15: {  	[tilespmem:s15], [sflag:$0x1] =	stream.linear.gather [hbm4b:s2+s3], $0x80, $0x38;
	[tilespmem:$0xED00] =	vst v63  }
0x16: {  	_ = 	snop  }
0x17: {  	[tilespmem:s3], [sflag:$0x1] =	stream.linear.gather [hbm4b:s5+s3], $0x1380, $0x38;
	[tilespmem:$0xED00] =	vst v63  }
0x18: {  	_ = 	snop  }
0x19: {  	[tilespmem:s16], [sflag:$0x1] =	stream.linear.gather [hbm4b:s6+s3], $0x1380, $0x38;
	[tilespmem:$0xED00] =	vst v63  }
0x1a: {  	_ = 	snop  }
0x1b: {  	[tilespmem:s17], [sflag:$0x1] =	stream.linear.gather [hbm4b:s7+s3], $0x1380, $0x38;
	[tilespmem:$0xED00] =	vst v63  }
0x1c: {  	_ = 	snop  }
0x1d: {  	[tilespmem:s18], [sflag:$0x1] =	stream.linear.gather [hbm4b:s8+s3], $0x1390, $0x38;
	[tilespmem:$0xED00] =	vst v63  }
0x1e: {  	_ = 	snop  }
0x1f: {  	[tilespmem:s19], [sflag:$0x1] =	stream.linear.gather [hbm4b:s9+s3], $0x1390, $0x38;
	[tilespmem:$0xED00] =	vst v63  }
0x20: {  	_ = 	snop  }
0x21: {  	[tilespmem:s20], [sflag:$0x1] =	stream.linear.gather [hbm4b:s10+s3], $0x1390, $0x38;
	[tilespmem:$0xED00] =	vst v63  }
0x22: {  	_ =	swait.ge [sflag:s21], $0x4E80  }
0x23: {  	[sflag:s21] =	ssyncset.done $0x0  }
0x24: {  	[sflag:s21] =	ssyncadd.s32 $0xFFFFB180  }
0x25: {  	_ =	swait.ge [sflag:s21], $0x80  }
0x26: {  	[sflag:s21] =	ssyncset.done $0x0  }
0x27: {  	[sflag:s21] =	ssyncadd.s32 $0xFFFFFF80  }
0x28: {  	_ =	swait.ge [sflag:s21], $0x1380  }
0x29: {  	[sflag:s21] =	ssyncset.done $0x0  }
0x2a: {  	[sflag:s21] =	ssyncadd.s32 $0xFFFFEC80  }
0x2b: {  	_ =	swait.ge [sflag:s21], $0x1380  }
0x2c: {  	[sflag:s21] =	ssyncset.done $0x0  }
0x2d: {  	[sflag:s21] =	ssyncadd.s32 $0xFFFFEC80  }
0x2e: {  	_ =	swait.ge [sflag:s21], $0x1380  }
0x2f: {  	[sflag:s21] =	ssyncset.done $0x0  }
0x30: {  	s0 =	simm.s32 $0x4F20;
	[sflag:s21] =	ssyncadd.s32 $0xFFFFEC80  }
0x31: {  	s1 =	simm.s32 $0x20;
	v5 =	vld [tilespmem:s0+$0x10]  }
0x32: {  	s28 =	simm.s32 $0x27A0;
	v0 =	vld [tilespmem:s1+$0x10]  }
0x33: {  	v1 =	vld [tilespmem:s28+$0x10]  }
0x34: {  	v2 =	vld [tilespmem:s0+$0xFFFFFFF0]  }
0x35: {  	v3 =	vld [tilespmem:s0+$0x0]  }
0x36: {  	v8 =	vld [tilespmem:s0+$0xFFFFFFE0];
	v4 =	vmul.u32 $0x2710, v5  }
0x37: {  	v6 =	vld [tilespmem:s1+$0xFFFFFFE0]  }
0x38: {  	v7 =	vld [tilespmem:s28+$0xFFFFFFE0];
	v0 =	vadd.s32 v0, v4  }
0x39: {  	v9 =	vld [tilespmem:s28+$0xFFFFFFF0];
	v1 =	vadd.s32 v4, v1  }
0x3a: {  	v10 =	vld [tilespmem:s1+$0x0]  }
0x3b: {  	v13 =	vld [tilespmem:s28+$0x0]  }
0x3c: {  	v11 =	vmul.u32 $0x2710, v8;
	v4 =	vld [tilespmem:s1+$0xFFFFFFF0]  }
0x3d: {  	v0 =	vld.idx.msk [tilespmem:v0+s14+$0x0], $0xffff  }
0x3e: {  	v12 =	vmul.u32 $0x2710, v2;
	v6 =	vadd.s32 v6, v11;
	v1 =	vld.idx.msk [tilespmem:v1+s14+$0x0], $0xffff  }
0x3f: {  	v7 =	vadd.s32 v11, v7;
	v11 =	vmul.u32 $0x2710, v3  }
0x40: {  	v9 =	vadd.s32 v12, v9  }
0x41: {  	v10 =	vadd.s32 v10, v11  }
0x42: {  	v4 =	vadd.s32 v4, v12  }
0x43: {  	v0 =	vadd.f32 v1, v0;
	v1 =	vld.idx.msk [tilespmem:v6+s14+$0x0], $0xffff;
	v6 =	vadd.s32 v11, v13  }
0x44: {  	v7 =	vld.idx.msk [tilespmem:v7+s14+$0x0], $0xffff  }
0x45: {  	v9 =	vld.idx.msk [tilespmem:v9+s14+$0x0], $0xffff;
	v0 =	vmax.f32 v0, $-7.500000000e+01  }
0x46: {  	v10 =	vld.idx.msk [tilespmem:v10+s14+$0x0], $0xffff;
	v0 =	vmin.f32 v0, $7.500000000e+01  }
0x47: {  	v4 =	vld.idx.msk [tilespmem:v4+s14+$0x0], $0xffff;
	v0 =	vmul.f32 $1.442695020e+00, v0  }
0x48: {  	s0 =	simm.s32 $0x4F60;
	v11 =	vld.idx.msk [tilespmem:v6+s14+$0x0], $0xffff  }
0x49: {  	(erf) = vpow2.f32 v0;
	v0 =	vld [tilespmem:s0+$0x10];
	_ =	sdelay $0x1  }
0x4a: {  	s1 =	simm.s32 $0x60;
	v1 =	vadd.f32 v7, v1  }
0x4b: {  	s28 =	simm.s32 $0x27E0;
	v12 =	vld [tilespmem:s1+$0x10]  }
0x4c: {  	v4 =	vadd.f32 v9, v4;
	v9 =	vld [tilespmem:s28+$0x10];
	v1 =	vmax.f32 v1, $-7.500000000e+01  }
0x4d: {  	v1 =	vmin.f32 v1, $7.500000000e+01;
	v10 =	vadd.f32 v11, v10;
	v11 =	vmul.u32 $0x2710, v0  }
0x4e: {  	v14 =	vld [tilespmem:s28+$0xFFFFFFE0];
	v1 =	vmul.f32 $1.442695020e+00, v1  }
0x4f: {  	v16 =	vld [tilespmem:s28+$0xFFFFFFF0];
	v4 =	vmax.f32 v4, $-7.500000000e+01  }
0x50: {  	v6 =	vld [tilespmem:s0+$0xFFFFFFF0];
	v4 =	vmin.f32 v4, $7.500000000e+01;
	(erf) = vpow2.f32 v1  }
0x51: {  	v13 =	vld [tilespmem:s0+$0xFFFFFFE0];
	v10 =	vmax.f32 v10, $-7.500000000e+01;
	v12 =	vadd.s32 v12, v11;
	v9 =	vadd.s32 v11, v9;
	v11 =	vpop (erf)  }
0x52: {  	v15 =	vld [tilespmem:s1+$0xFFFFFFF0];
	v1 =	vmul.f32 $1.442695020e+00, v4;
	v10 =	vmin.f32 v10, $7.500000000e+01;
	v11 =	vadd.f32 $1.000000000e+00, v11  }
0x53: {  	v7 =	vld [tilespmem:s0+$0x0];
	v10 =	vmul.f32 $1.442695020e+00, v10  }
0x54: {  	v4 =	vld [tilespmem:s1+$0xFFFFFFE0];
	(erf) = vpow2.f32 v1;
	v17 =	vcvt.s32.f32 v11  }
0x55: {  	v18 =	vmul.u32 $0x2710, v6;
	(erf) = vpow2.f32 v10;
	v10 =	vld [tilespmem:s1+$0x0]  }
0x56: {  	v1 =	vmul.u32 $0x2710, v13;
	v12 =	vld.idx.msk [tilespmem:v12+s14+$0x0], $0xffff;
	v17 =	vmul.f32 $8.262958320e-08, v17  }
0x57: {  	v15 =	vadd.s32 v15, v18;
	v9 =	vld.idx.msk [tilespmem:v9+s14+$0x0], $0xffff  }
0x58: {  	v19 =	vld [tilespmem:s28+$0x0];
	v14 =	vadd.s32 v1, v14  }
0x59: {  	v20 =	vld.idx.msk [tilespmem:v8+s15+$0x0], $0xffff;
	v4 =	vadd.s32 v4, v1  }
0x5a: {  	v21 =	vmul.u32 $0x2710, v7;
	v1 =	vld.idx.msk [tilespmem:v2+s15+$0x0], $0xffff;
	v8 =	vadd.f32 $-8.799986260e+01, v17;
	v17 =	vpop (erf)  }
0x5b: {  	v16 =	vadd.s32 v18, v16;
	v2 =	vld.idx.msk [tilespmem:v3+s15+$0x0], $0xffff;
	v17 =	vadd.f32 $1.000000000e+00, v17  }
0x5c: {  	v15 =	vld.idx.msk [tilespmem:v15+s14+$0x0], $0xffff;
	v10 =	vadd.s32 v10, v21;
	v9 =	vadd.f32 v9, v12  }
0x5d: {  	v12 =	vld.idx.msk [tilespmem:v14+s14+$0x0], $0xffff;
	v14 =	vadd.s32 v21, v19;
	v3 =	vsub.f32 $0.0e+00, v8;
	v22 =	vcvt.s32.f32 v17  }
0x5e: {  	v4 =	vld.idx.msk [tilespmem:v4+s14+$0x0], $0xffff  }
0x5f: {  	v9 =	vmax.f32 v9, $-7.500000000e+01;
	v19 =	vmul.f32 $1.442695020e+00, v3;
	v3 =	vld.idx.msk [tilespmem:v13+s15+$0x0], $0xffff;
	v13 =	vmul.f32 $8.262958320e-08, v22  }
0x60: {  	v16 =	vld.idx.msk [tilespmem:v16+s14+$0x0], $0xffff;
	v18 =	vpop (erf);
	v9 =	vmin.f32 v9, $7.500000000e+01  }
0x61: {  	v21 =	vpop (erf);
	v10 =	vld.idx.msk [tilespmem:v10+s14+$0x0], $0xffff;
	v9 =	vmul.f32 $1.442695020e+00, v9;
	v13 =	vadd.f32 $-8.799986260e+01, v13  }
0x62: {  	v18 =	vadd.f32 $1.000000000e+00, v18;
	v21 =	vadd.f32 $1.000000000e+00, v21;
	(erf) = vpow2.f32 v19;
	v14 =	vld.idx.msk [tilespmem:v14+s14+$0x0], $0xffff  }
0x63: {  	(erf) = vpow2.f32 v9;
	v9 =	vsub.f32 $0.0e+00, v13  }
0x64: {  	s29 =	simm.s32 $0x2820;
	v12 =	vadd.f32 v12, v4;
	v22 =	vcvt.s32.f32 v18;
	v19 =	vcvt.s32.f32 v21  }
0x65: {  	v33 =	vld [tilespmem:s29+$0x0];
	s1 =	simm.s32 $0x4FA0;
	v15 =	vadd.f32 v16, v15;
	v9 =	vmul.f32 $1.442695020e+00, v9  }
0x66: {  	s28 =	simm.s32 $0xA0;
	v4 =	vld [tilespmem:s1+$0x10];
	v12 =	vmax.f32 v12, $-7.500000000e+01;
	v22 =	vmul.f32 $8.262958320e-08, v22;
	v19 =	vmul.f32 $8.262958320e-08, v19  }
0x67: {  	v23 =	vld [tilespmem:s28+$0x10];
	v12 =	vmin.f32 v12, $7.500000000e+01;
	(erf) = vpow2.f32 v9;
	v9 =	vadd.f32 v14, v10  }
0x68: {  	v16 =	vld [tilespmem:s29+$0x10];
	v15 =	vmax.f32 v15, $-7.500000000e+01;
	v12 =	vmul.f32 $1.442695020e+00, v12;
	v22 =	vadd.f32 $-8.799986260e+01, v22  }
0x69: {  	v5 =	vld.idx.msk [tilespmem:v5+s15+$0x0], $0xffff;
	v19 =	vadd.f32 $-8.799986260e+01, v19;
	v10 =	vmin.f32 v15, $7.500000000e+01;
	v9 =	vmax.f32 v9, $-7.500000000e+01  }
0x6a: {  	v26 =	vld [tilespmem:s1+$0xFFFFFFF0];
	v10 =	vmul.f32 $1.442695020e+00, v10;
	(erf) = vpow2.f32 v12;
	v9 =	vmin.f32 v9, $7.500000000e+01  }
0x6b: {  	v28 =	vld [tilespmem:s1+$0xFFFFFFE0];
	v8 =	vadd.f32 $-1.000000000e+00, v8;
	v24 =	vsub.f32 $0.0e+00, v22;
	v14 =	vmul.u32 $0x2710, v4;
	v15 =	vpop (erf)  }
0x6c: {  	v27 =	vld [tilespmem:s1+$0x0];
	v25 =	vsub.f32 $0.0e+00, v19;
	v11 =	vmul.f32 v15, v11;
	(erf) = vpow2.f32 v10  }
0x6d: {  	v12 =	vld [tilespmem:s28+$0xFFFFFFE0];
	v15 =	vadd.s32 v23, v14;
	v14 =	vadd.s32 v14, v16;
	v16 =	vmul.f32 $1.442695020e+00, v9;
	v9 =	vpop (erf)  }
0x6e: {  	v25 =	vmul.f32 $1.442695020e+00, v25;
	v23 =	vld [tilespmem:s29+$0xFFFFFFE0];
	v8 =	vadd.f32 v11, v8;
	v9 =	vadd.f32 $1.000000000e+00, v9  }
0x6f: {  	v13 =	vadd.f32 $-1.000000000e+00, v13;
	v10 =	vmul.f32 $1.442695020e+00, v24;
	v24 =	vld [tilespmem:s28+$0xFFFFFFF0];
	(erf) = vpow2.f32 v16  }
0x70: {  	v11 =	vld [tilespmem:s29+$0xFFFFFFF0];
	v31 =	vmul.f32 v8, v5;
	v5 =	vmul.u32 $0x2710, v28;
	v30 =	vcvt.s32.f32 v9  }
0x71: {  	v29 =	vld [tilespmem:s28+$0x0];
	v60 =	vadd.f32 $-1.000000000e+00, v22;
	v16 =	vmul.u32 $0x2710, v26;
	(erf) = vpow2.f32 v10  }
0x72: {  	v22 =	vadd.s32 v12, v5;
	v8 =	vpop (erf);
	(erf) = vpow2.f32 v25;
	v25 =	vld.idx.msk [tilespmem:v14+s14+$0x0], $0xffff;
	v14 =	vmul.f32 $8.262958320e-08, v30  }
0x73: {  	v32 =	vld.idx.msk [tilespmem:v15+s14+$0x0], $0xffff;
	v17 =	vmul.f32 v8, v17;
	v8 =	vadd.f32 $-1.000000000e+00, v19;
	v19 =	vadd.s32 v5, v23;
	v12 =	vpop (erf)  }
0x74: {  	v6 =	vld.idx.msk [tilespmem:v6+s15+$0x0], $0xffff;
	v10 =	vmul.u32 $0x2710, v27;
	v12 =	vadd.f32 $1.000000000e+00, v12;
	v15 =	vadd.f32 $-8.799986260e+01, v14  }
0x75: {  	v5 =	vld.idx.msk [tilespmem:v7+s15+$0x0], $0xffff;
	v23 =	vadd.s32 v24, v16;
	v16 =	vadd.s32 v16, v11;
	v17 =	vadd.f32 v17, v13;
	v13 =	vpop (erf)  }
0x76: {  	v14 =	vld.idx.msk [tilespmem:v26+s15+$0x0], $0xffff;
	v26 =	vcvt.s32.f32 v12;
	v13 =	vadd.f32 $1.000000000e+00, v13;
	v11 =	vsub.f32 $0.0e+00, v15  }
0x77: {  	v33 =	vadd.s32 v10, v33;
	v24 =	vadd.s32 v29, v10;
	v62 =	vld.idx.msk [tilespmem:v22+s14+$0x0], $0xffff;
	v61 =	vmul.f32 v17, v20  }
0x78: {  	v17 =	vadd.f32 v25, v32;
	v10 =	vpop (erf);
	v25 =	vld.idx.msk [tilespmem:v19+s14+$0x0], $0xffff;
	v22 =	vcvt.s32.f32 v13;
	v20 =	vmul.f32 $1.442695020e+00, v11  }
0x79: {  	v19 =	vmul.f32 $8.262958320e-08, v26;
	v10 =	vadd.f32 $1.000000000e+00, v10;
	v11 =	vld.idx.msk [tilespmem:v27+s15+$0x0], $0xffff  }
0x7a: {  	v17 =	vmax.f32 v17, $-7.500000000e+01;
	v26 =	vpop (erf);
	v27 =	vmul.f32 $8.262958320e-08, v22;
	v22 =	vld.idx.msk [tilespmem:v16+s14+$0x0], $0xffff;
	(erf) = vpow2.f32 v20  }
0x7b: {  	v17 =	vmin.f32 v17, $7.500000000e+01;
	v26 =	vmul.f32 v26, v18;
	v63 =	vcvt.s32.f32 v10;
	v20 =	vld.idx.msk [tilespmem:v23+s14+$0x0], $0xffff  }
0x7c: {  	s30 =	simm.s32 $0xC5A0;
	v7 =	vld.idx.msk [tilespmem:v28+s15+$0x0], $0xffff;
	v34 =	vmul.f32 $1.442695020e+00, v17;
	v18 =	vadd.f32 $-8.799986260e+01, v19;
	v23 =	vpop (erf);
	v17 =	vadd.f32 $-8.799986260e+01, v27  }
0x7d: {  	[tilespmem:s30+$0x10] =	vst v31;
	v16 =	vmul.f32 v23, v21;
	v21 =	vld.idx.msk [tilespmem:v24+s14+$0x0], $0xffff;
	v24 =	vmul.f32 $8.262958320e-08, v63;
	v19 =	vadd.f32 v26, v60  }
0x7e: {  	s31 =	simm.s32 $0xC5A0;
	s0 =	simm.s32 $0x4FE0;
	s1 =	simm.s32 $0x8;
	[tilespmem:s30+$0xFFFFFFE0] =	vst v61;
	v23 =	vld.idx.msk [tilespmem:v33+s14+$0x0], $0xffff;
	v25 =	vadd.f32 v25, v62;
	(erf) = vpow2.f32 v34;
	v26 =	vsub.f32 $0.0e+00, v18  }
.LBB2_2:
0x7f: {  	v27 =	vld [tilespmem:s0+$0x10];
	s28 =	sadd.s32 $0x40, s28;
	v28 =	vsub.f32 $0.0e+00, v17;
	v24 =	vadd.f32 $-8.799986260e+01, v24;
	v19 =	vmul.f32 v19, v1;
	v1 =	vmovc v6;
	v6 =	vmovc v14  }
0x80: {  	s1 =	sadd.s32 $0x4, s1;
	v20 =	vadd.f32 v22, v20;
	s29 =	sadd.s32 $0x40, s29;
	v14 =	vld [tilespmem:s28+$0x10];
	v25 =	vmax.f32 v25, $-7.500000000e+01;
	v22 =	vmul.f32 $1.442695020e+00, v26  }
0x81: {  	p0 =	slt.u32 s1, $0x134;
	v26 =	vld [tilespmem:s29+$0x10];
	v25 =	vmin.f32 v25, $7.500000000e+01;
	v28 =	vmul.f32 $1.442695020e+00, v28;
	v29 =	vsub.f32 $0.0e+00, v24;
	[tilespmem:s30+$0xFFFFFFF0] =	vst v19  }
0x82: {  	v20 =	vmax.f32 v20, $-7.500000000e+01;
	v19 =	vmul.f32 $1.442695020e+00, v25;
	v25 =	vld.idx.msk [tilespmem:v0+s15+$0x0], $0xffff;
	(erf) = vpow2.f32 v22;
	v0 =	vmovc v4  }
0x83: {  	v20 =	vmin.f32 v20, $7.500000000e+01;
	v21 =	vadd.f32 v23, v21;
	v22 =	vld [tilespmem:s0+$0xFFFFFFF0];
	v23 =	vmul.f32 $1.442695020e+00, v29;
	v4 =	vpop (erf)  }
0x84: {  	v15 =	vadd.f32 $-1.000000000e+00, v15;
	v29 =	vld [tilespmem:s0+$0x0];
	v30 =	vmul.u32 $0x2710, v27;
	v32 =	vmul.f32 v4, v9;
	v4 =	vmovc v27  }
0x85: {  	v20 =	vmul.f32 $1.442695020e+00, v20;
	v21 =	vmax.f32 v21, $-7.500000000e+01;
	v27 =	vld [tilespmem:s0+$0xFFFFFFE0];
	(erf) = vpow2.f32 v19  }
0x86: {  	v21 =	vmin.f32 v21, $7.500000000e+01;
	v19 =	vld [tilespmem:s28+$0xFFFFFFE0];
	v14 =	vadd.s32 v14, v30;
	v15 =	vadd.f32 v32, v15  }
0x87: {  	v26 =	vadd.s32 v30, v26;
	v21 =	vmul.f32 $1.442695020e+00, v21;
	v31 =	vld [tilespmem:s29+$0xFFFFFFE0];
	(erf) = vpow2.f32 v20;
	v9 =	vpop (erf)  }
0x88: {  	v20 =	vmul.u32 $0x2710, v22;
	v30 =	vld [tilespmem:s28+$0xFFFFFFF0];
	v9 =	vadd.f32 $1.000000000e+00, v9;
	v36 =	vmul.f32 v15, v25  }
0x89: {  	v18 =	vadd.f32 $-1.000000000e+00, v18;
	s30 =	sadd.s32 $0x40, s30;
	v25 =	vld [tilespmem:s29+$0xFFFFFFF0];
	v32 =	vmul.u32 $0x2710, v29;
	(erf) = vpow2.f32 v21  }
0x8a: {  	v21 =	vmul.u32 $0x2710, v27;
	v33 =	vld [tilespmem:s28+$0x0];
	v34 =	vcvt.s32.f32 v9;
	[tilespmem:s30+$0x10] =	vst v36;
	(erf) = vpow2.f32 v28  }
0x8b: {  	v35 =	vadd.f32 $-1.000000000e+00, v17;
	v28 =	vld.idx.msk [tilespmem:v14+s14+$0x0], $0xffff;
	v14 =	vadd.f32 $-1.000000000e+00, v24;
	v15 =	vpop (erf);
	(erf) = vpow2.f32 v23  }
0x8c: {  	v17 =	vadd.s32 v19, v21;
	v19 =	vadd.s32 v21, v31;
	v21 =	vld.idx.msk [tilespmem:v26+s14+$0x0], $0xffff;
	v23 =	vmul.f32 $8.262958320e-08, v34  }
0x8d: {  	v16 =	vadd.f32 v16, v8;
	v24 =	vadd.s32 v30, v20;
	v26 =	vld [tilespmem:s29+$0x0];
	v30 =	vmul.f32 v15, v12;
	v8 =	vmovc v14  }
0x8e: {  	v27 =	vld.idx.msk [tilespmem:v27+s15+$0x0], $0xffff;
	v25 =	vadd.s32 v20, v25;
	v15 =	vadd.f32 $-8.799986260e+01, v23;
	v12 =	vpop (erf)  }
0x8f: {  	v14 =	vld.idx.msk [tilespmem:v22+s15+$0x0], $0xffff;
	v23 =	vadd.s32 v33, v32;
	v12 =	vadd.f32 $1.000000000e+00, v12;
	v18 =	vadd.f32 v30, v18  }
0x90: {  	v16 =	vmul.f32 v16, v2;
	v2 =	vmov v5;
	v29 =	vld.idx.msk [tilespmem:v29+s15+$0x0], $0xffff;
	v20 =	vsub.f32 $0.0e+00, v15;
	v22 =	vpop (erf)  }
0x91: {  	v5 =	vmovc v11;
	v30 =	vld.idx.msk [tilespmem:v17+s14+$0x0], $0xffff;
	v17 =	vcvt.s32.f32 v12;
	v31 =	vadd.f32 $1.000000000e+00, v22;
	v22 =	vmul.f32 v18, v3;
	v3 =	vmovc v7  }
0x92: {  	v33 =	vld.idx.msk [tilespmem:v19+s14+$0x0], $0xffff;
	v19 =	vadd.s32 v32, v26;
	v32 =	vadd.f32 v21, v28;
	v26 =	vmul.f32 $1.442695020e+00, v20;
	v21 =	vpop (erf);
	[tilespmem:s31+$0x0] =	vst v16;
	s31 =	smov.u32 s30  }
0x93: {  	v20 =	vld.idx.msk [tilespmem:v24+s14+$0x0], $0xffff;
	v16 =	vmul.f32 $8.262958320e-08, v17;
	v17 =	vcvt.s32.f32 v31;
	v24 =	vadd.f32 $1.000000000e+00, v21;
	[tilespmem:s30+$0xFFFFFFE0] =	vst v22;
	v18 =	vpop (erf)  }
.Ltmp0:
0x94: {  	v22 =	vld.idx.msk [tilespmem:v25+s14+$0x0], $0xffff;
	v28 =	vmax.f32 v32, $-7.500000000e+01;
	(erf) = vpow2.f32 v26;
	v25 =	vmul.f32 v18, v13;
	v11 =	vpop (erf);
	(pc) =	sbr.rel @p0 .LBB2_2-.Ltmp0, $4  }
0x95: {  	v7 =	vmovc v27;
	v13 =	vmovc v31;
	v21 =	vld.idx.msk [tilespmem:v23+s14+$0x0], $0xffff;
	v18 =	vmin.f32 v28, $7.500000000e+01;
	v17 =	vmul.f32 $8.262958320e-08, v17;
	v26 =	vcvt.s32.f32 v24  }
0x96: {  	v27 =	vmul.f32 $1.442695020e+00, v18;
	v18 =	vadd.f32 $-8.799986260e+01, v16;
	v16 =	vmul.f32 v11, v10;
	v11 =	vmovc v29;
	v10 =	vmovc v24  }
0x97: {  	v23 =	vld.idx.msk [tilespmem:v19+s14+$0x0], $0xffff;
	v17 =	vadd.f32 $-8.799986260e+01, v17;
	v24 =	vmul.f32 $8.262958320e-08, v26;
	v19 =	vadd.f32 v25, v35  }
0x98: {  	s0 =	sadd.s32 $0x40, s0;
	v25 =	vadd.f32 v33, v30;
	(erf) = vpow2.f32 v27;
	v26 =	vsub.f32 $0.0e+00, v18  }
0x99: {  	_ =	sdelay $0x1  }
0x9a: {  	v20 =	vadd.f32 v22, v20  }
0x9b: {  	v22 =	vmax.f32 v25, $-7.500000000e+01;
	v21 =	vadd.f32 v23, v21  }
0x9c: {  	v22 =	vmin.f32 v22, $7.500000000e+01;
	v20 =	vmax.f32 v20, $-7.500000000e+01;
	v23 =	vmul.f32 $1.442695020e+00, v26  }
0x9d: {  	v22 =	vmul.f32 $1.442695020e+00, v22;
	v20 =	vmin.f32 v20, $7.500000000e+01;
	v21 =	vmax.f32 v21, $-7.500000000e+01  }
0x9e: {  	v20 =	vmul.f32 $1.442695020e+00, v20;
	(erf) = vpow2.f32 v23;
	v21 =	vmin.f32 v21, $7.500000000e+01  }
0x9f: {  	(erf) = vpow2.f32 v22;
	v21 =	vmul.f32 $1.442695020e+00, v21  }
0xa0: {  	(erf) = vpow2.f32 v20  }
0xa1: {  	(erf) = vpow2.f32 v21;
	_ =	sdelay $0x1  }
0xa2: {  	v20 =	vpop (erf)  }
0xa3: {  	v21 =	vpop (erf)  }
0xa4: {  	v21 =	vadd.f32 $1.000000000e+00, v21;
	_ =	sdelay $0x1  }
0xa5: {  	v22 =	vcvt.s32.f32 v21;
	v23 =	vpop (erf)  }
0xa6: {  	v24 =	vadd.f32 $-8.799986260e+01, v24;
	v25 =	vsub.f32 $0.0e+00, v17;
	v26 =	vpop (erf)  }
0xa7: {  	v22 =	vmul.f32 $8.262958320e-08, v22;
	v26 =	vadd.f32 $1.000000000e+00, v26;
	v27 =	vpop (erf)  }
0xa8: {  	v28 =	vsub.f32 $0.0e+00, v24;
	v25 =	vmul.f32 $1.442695020e+00, v25;
	v27 =	vadd.f32 $1.000000000e+00, v27;
	v29 =	vpop (erf)  }
0xa9: {  	v22 =	vadd.f32 $-8.799986260e+01, v22;
	v30 =	vcvt.s32.f32 v26;
	v29 =	vadd.f32 $1.000000000e+00, v29  }
0xaa: {  	v28 =	vmul.f32 $1.442695020e+00, v28;
	v31 =	vcvt.s32.f32 v27  }
0xab: {  	v32 =	vsub.f32 $0.0e+00, v22;
	v30 =	vmul.f32 $8.262958320e-08, v30;
	v33 =	vcvt.s32.f32 v29  }
0xac: {  	(erf) = vpow2.f32 v25;
	v25 =	vmul.f32 $8.262958320e-08, v31  }
0xad: {  	v47 =	vmul.f32 $1.442695020e+00, v32;
	v30 =	vadd.f32 $-8.799986260e+01, v30;
	v48 =	vmul.f32 $8.262958320e-08, v33  }
0xae: {  	(erf) = vpow2.f32 v28;
	v25 =	vadd.f32 $-8.799986260e+01, v25  }
0xaf: {  	(erf) = vpow2.f32 v47;
	v49 =	vsub.f32 $0.0e+00, v30;
	v50 =	vadd.f32 $-8.799986260e+01, v48  }
0xb0: {  	v51 =	vsub.f32 $0.0e+00, v25  }
0xb1: {  	v28 =	vmul.f32 $1.442695020e+00, v49;
	v52 =	vsub.f32 $0.0e+00, v50  }
0xb2: {  	v32 =	vmul.f32 $1.442695020e+00, v51  }
0xb3: {  	v0 =	vld.idx.msk [tilespmem:v0+s15+$0x0], $0xffff;
	(erf) = vpow2.f32 v28;
	v53 =	vmul.f32 $1.442695020e+00, v52  }
0xb4: {  	v15 =	vadd.f32 $-1.000000000e+00, v15;
	v9 =	vmul.f32 v20, v9;
	(erf) = vpow2.f32 v32  }
0xb5: {  	v20 =	vpop (erf);
	(erf) = vpow2.f32 v53  }
0xb6: {  	v17 =	vadd.f32 $-1.000000000e+00, v17;
	v9 =	vadd.f32 v9, v15;
	v13 =	vmul.f32 v20, v13  }
0xb7: {  	v15 =	vadd.f32 $-1.000000000e+00, v18;
	v12 =	vmul.f32 v23, v12;
	v18 =	vpop (erf)  }
0xb8: {  	v8 =	vadd.f32 v16, v8;
	v4 =	vld.idx.msk [tilespmem:v4+s15+$0x0], $0xffff;
	v0 =	vmul.f32 v9, v0;
	v9 =	vadd.f32 v13, v17;
	v16 =	vpop (erf)  }
0xb9: {  	v12 =	vadd.f32 v12, v15;
	v15 =	vadd.f32 $-1.000000000e+00, v22;
	v16 =	vmul.f32 v16, v21  }
0xba: {  	v1 =	vmul.f32 v19, v1;
	v10 =	vmul.f32 v18, v10  }
0xbb: {  	v2 =	vmul.f32 v8, v2;
	v8 =	vadd.f32 v16, v15  }
0xbc: {  	s0 =	sadd.s32 $0x40, s30;
	[tilespmem:s30+$0xFFFFFFF0] =	vst v1;
	v1 =	vadd.f32 $-1.000000000e+00, v24;
	v3 =	vmul.f32 v12, v3;
	v6 =	vmul.f32 v9, v6;
	v9 =	vpop (erf)  }
0xbd: {  	[tilespmem:s0+$0x10] =	vst v0;
	v0 =	vmul.f32 v8, v4;
	v4 =	vadd.f32 $-1.000000000e+00, v30;
	v8 =	vmul.f32 v9, v26;
	v9 =	vpop (erf)  }
0xbe: {  	[tilespmem:s31+$0x0] =	vst v2;
	v1 =	vadd.f32 v10, v1;
	v2 =	vadd.f32 $-1.000000000e+00, v25;
	v9 =	vmul.f32 v9, v27;
	v10 =	vpop (erf)  }
0xbf: {  	[tilespmem:s0+$0xFFFFFFE0] =	vst v3;
	v3 =	vadd.f32 $-1.000000000e+00, v50;
	v4 =	vadd.f32 v8, v4;
	v8 =	vmul.f32 v10, v29  }
0xc0: {  	s1 =	sadd.s32 $0x40, s0;
	v1 =	vmul.f32 v1, v5;
	[tilespmem:s0+$0xFFFFFFF0] =	vst v6;
	v2 =	vadd.f32 v9, v2  }
0xc1: {  	[tilespmem:s1+$0x10] =	vst v0;
	v0 =	vmul.f32 v4, v7;
	v3 =	vadd.f32 v8, v3  }
0xc2: {  	[tilespmem:s0+$0x0] =	vst v1;
	v1 =	vmul.f32 v2, v14  }
0xc3: {  	[tilespmem:s1+$0xFFFFFFE0] =	vst v0;
	v0 =	vmul.f32 v3, v11  }
0xc4: {  	[tilespmem:s1+$0xFFFFFFF0] =	vst v1  }
0xc5: {  	[tilespmem:s1+$0x0] =	vst v0  }
0xc6: {  	[hbm4b:s11+s3] =	stream.linear.scatter [tilespmem:s22], [sflag:$0x2], $0x1380, $0x38;
	[tilespmem:$0xED00] =	vst v63  }
0xc7: {  	_ =	swait.ge [sflag:s21], $0x1390  }
0xc8: {  	[sflag:s21] =	ssyncset.done $0x0  }
0xc9: {  	[sflag:s21] =	ssyncadd.s32 $0xFFFFEC70  }
0xca: {  	_ =	swait.ge [sflag:s21], $0x1390  }
0xcb: {  	[sflag:s21] =	ssyncset.done $0x0  }
0xcc: {  	[sflag:s21] =	ssyncadd.s32 $0xFFFFEC70  }
0xcd: {  	_ =	swait.ge [sflag:s21], $0x1390  }
0xce: {  	[sflag:s21] =	ssyncset.done $0x0  }
0xcf: {  	s0 =	simm.s32 $0x62B0;
	[sflag:s21] =	ssyncadd.s32 $0xFFFFEC70  }
0xd0: {  	s1 =	simm.s32 $0x13B0;
	v5 =	vld [tilespmem:s0+$0x0]  }
0xd1: {  	s28 =	simm.s32 $0x3B30;
	v0 =	vld [tilespmem:s1+$0x0]  }
0xd2: {  	v1 =	vld [tilespmem:s28+$0x0]  }
0xd3: {  	v2 =	vld [tilespmem:s0+$0xFFFFFFE0]  }
0xd4: {  	v3 =	vld [tilespmem:s0+$0xFFFFFFF0]  }
0xd5: {  	v8 =	vld [tilespmem:s0+$0xFFFFFFD0];
	v4 =	vmul.u32 $0x2710, v5  }
0xd6: {  	v6 =	vld [tilespmem:s1+$0xFFFFFFD0]  }
0xd7: {  	v7 =	vld [tilespmem:s28+$0xFFFFFFD0];
	v0 =	vadd.s32 v0, v4  }
0xd8: {  	v9 =	vld [tilespmem:s28+$0xFFFFFFE0];
	v1 =	vadd.s32 v4, v1  }
0xd9: {  	v10 =	vld [tilespmem:s1+$0xFFFFFFF0]  }
0xda: {  	v13 =	vld [tilespmem:s28+$0xFFFFFFF0]  }
0xdb: {  	v11 =	vmul.u32 $0x2710, v8;
	v4 =	vld [tilespmem:s1+$0xFFFFFFE0]  }
0xdc: {  	v0 =	vld.idx.msk [tilespmem:v0+s14+$0x0], $0xffff  }
0xdd: {  	v12 =	vmul.u32 $0x2710, v2;
	v6 =	vadd.s32 v6, v11;
	v1 =	vld.idx.msk [tilespmem:v1+s14+$0x0], $0xffff  }
0xde: {  	v7 =	vadd.s32 v11, v7;
	v11 =	vmul.u32 $0x2710, v3  }
0xdf: {  	v9 =	vadd.s32 v12, v9  }
0xe0: {  	v10 =	vadd.s32 v10, v11  }
0xe1: {  	v4 =	vadd.s32 v4, v12  }
0xe2: {  	v0 =	vadd.f32 v1, v0;
	v1 =	vld.idx.msk [tilespmem:v6+s14+$0x0], $0xffff;
	v6 =	vadd.s32 v11, v13  }
0xe3: {  	v7 =	vld.idx.msk [tilespmem:v7+s14+$0x0], $0xffff  }
0xe4: {  	v9 =	vld.idx.msk [tilespmem:v9+s14+$0x0], $0xffff;
	v0 =	vmax.f32 v0, $-7.500000000e+01  }
0xe5: {  	v10 =	vld.idx.msk [tilespmem:v10+s14+$0x0], $0xffff;
	v0 =	vmin.f32 v0, $7.500000000e+01  }
0xe6: {  	v4 =	vld.idx.msk [tilespmem:v4+s14+$0x0], $0xffff;
	v0 =	vmul.f32 $1.442695020e+00, v0  }
0xe7: {  	s0 =	simm.s32 $0x62F0;
	v11 =	vld.idx.msk [tilespmem:v6+s14+$0x0], $0xffff  }
0xe8: {  	(erf) = vpow2.f32 v0;
	v0 =	vld [tilespmem:s0+$0x0];
	_ =	sdelay $0x1  }
0xe9: {  	s1 =	simm.s32 $0x13F0;
	v1 =	vadd.f32 v7, v1  }
0xea: {  	s28 =	simm.s32 $0x3B70;
	v12 =	vld [tilespmem:s1+$0x0]  }
0xeb: {  	v4 =	vadd.f32 v9, v4;
	v9 =	vld [tilespmem:s28+$0x0];
	v1 =	vmax.f32 v1, $-7.500000000e+01  }
0xec: {  	v1 =	vmin.f32 v1, $7.500000000e+01;
	v10 =	vadd.f32 v11, v10;
	v11 =	vmul.u32 $0x2710, v0  }
0xed: {  	v14 =	vld [tilespmem:s28+$0xFFFFFFD0];
	v1 =	vmul.f32 $1.442695020e+00, v1  }
0xee: {  	v16 =	vld [tilespmem:s28+$0xFFFFFFE0];
	v4 =	vmax.f32 v4, $-7.500000000e+01  }
0xef: {  	v6 =	vld [tilespmem:s0+$0xFFFFFFE0];
	v4 =	vmin.f32 v4, $7.500000000e+01;
	(erf) = vpow2.f32 v1  }
0xf0: {  	v13 =	vld [tilespmem:s0+$0xFFFFFFD0];
	v10 =	vmax.f32 v10, $-7.500000000e+01;
	v12 =	vadd.s32 v12, v11;
	v9 =	vadd.s32 v11, v9;
	v11 =	vpop (erf)  }
0xf1: {  	v15 =	vld [tilespmem:s1+$0xFFFFFFE0];
	v1 =	vmul.f32 $1.442695020e+00, v4;
	v10 =	vmin.f32 v10, $7.500000000e+01;
	v11 =	vadd.f32 $1.000000000e+00, v11  }
0xf2: {  	v7 =	vld [tilespmem:s0+$0xFFFFFFF0];
	v10 =	vmul.f32 $1.442695020e+00, v10  }
0xf3: {  	v4 =	vld [tilespmem:s1+$0xFFFFFFD0];
	(erf) = vpow2.f32 v1;
	v17 =	vcvt.s32.f32 v11  }
0xf4: {  	v18 =	vmul.u32 $0x2710, v6;
	(erf) = vpow2.f32 v10;
	v10 =	vld [tilespmem:s1+$0xFFFFFFF0]  }
0xf5: {  	v1 =	vmul.u32 $0x2710, v13;
	v12 =	vld.idx.msk [tilespmem:v12+s14+$0x0], $0xffff;
	v17 =	vmul.f32 $8.262958320e-08, v17  }
0xf6: {  	v15 =	vadd.s32 v15, v18;
	v9 =	vld.idx.msk [tilespmem:v9+s14+$0x0], $0xffff  }
0xf7: {  	v19 =	vld [tilespmem:s28+$0xFFFFFFF0];
	v14 =	vadd.s32 v1, v14  }
0xf8: {  	v20 =	vld.idx.msk [tilespmem:v8+s15+$0x0], $0xffff;
	v4 =	vadd.s32 v4, v1  }
0xf9: {  	v21 =	vmul.u32 $0x2710, v7;
	v1 =	vld.idx.msk [tilespmem:v2+s15+$0x0], $0xffff;
	v8 =	vadd.f32 $-8.799986260e+01, v17;
	v17 =	vpop (erf)  }
0xfa: {  	v16 =	vadd.s32 v18, v16;
	v2 =	vld.idx.msk [tilespmem:v3+s15+$0x0], $0xffff;
	v17 =	vadd.f32 $1.000000000e+00, v17  }
0xfb: {  	v15 =	vld.idx.msk [tilespmem:v15+s14+$0x0], $0xffff;
	v10 =	vadd.s32 v10, v21;
	v9 =	vadd.f32 v9, v12  }
0xfc: {  	v12 =	vld.idx.msk [tilespmem:v14+s14+$0x0], $0xffff;
	v14 =	vadd.s32 v21, v19;
	v3 =	vsub.f32 $0.0e+00, v8;
	v22 =	vcvt.s32.f32 v17  }
0xfd: {  	v4 =	vld.idx.msk [tilespmem:v4+s14+$0x0], $0xffff  }
0xfe: {  	v9 =	vmax.f32 v9, $-7.500000000e+01;
	v19 =	vmul.f32 $1.442695020e+00, v3;
	v3 =	vld.idx.msk [tilespmem:v13+s15+$0x0], $0xffff;
	v13 =	vmul.f32 $8.262958320e-08, v22  }
0xff: {  	v16 =	vld.idx.msk [tilespmem:v16+s14+$0x0], $0xffff;
	v18 =	vpop (erf);
	v9 =	vmin.f32 v9, $7.500000000e+01  }
0x100: {  	v21 =	vpop (erf);
	v10 =	vld.idx.msk [tilespmem:v10+s14+$0x0], $0xffff;
	v9 =	vmul.f32 $1.442695020e+00, v9;
	v13 =	vadd.f32 $-8.799986260e+01, v13  }
0x101: {  	v18 =	vadd.f32 $1.000000000e+00, v18;
	v21 =	vadd.f32 $1.000000000e+00, v21;
	(erf) = vpow2.f32 v19;
	v14 =	vld.idx.msk [tilespmem:v14+s14+$0x0], $0xffff  }
0x102: {  	(erf) = vpow2.f32 v9;
	v9 =	vsub.f32 $0.0e+00, v13  }
0x103: {  	s29 =	simm.s32 $0x3BB0;
	v12 =	vadd.f32 v12, v4;
	v22 =	vcvt.s32.f32 v18;
	v19 =	vcvt.s32.f32 v21  }
0x104: {  	v60 =	vld [tilespmem:s29+$0xFFFFFFF0];
	s1 =	simm.s32 $0x6330;
	v15 =	vadd.f32 v16, v15;
	v9 =	vmul.f32 $1.442695020e+00, v9  }
0x105: {  	s28 =	simm.s32 $0x1430;
	v4 =	vld [tilespmem:s1+$0x0];
	v12 =	vmax.f32 v12, $-7.500000000e+01;
	v22 =	vmul.f32 $8.262958320e-08, v22;
	v19 =	vmul.f32 $8.262958320e-08, v19  }
0x106: {  	v23 =	vld [tilespmem:s28+$0x0];
	v12 =	vmin.f32 v12, $7.500000000e+01;
	(erf) = vpow2.f32 v9;
	v9 =	vadd.f32 v14, v10  }
0x107: {  	v16 =	vld [tilespmem:s29+$0x0];
	v15 =	vmax.f32 v15, $-7.500000000e+01;
	v12 =	vmul.f32 $1.442695020e+00, v12;
	v22 =	vadd.f32 $-8.799986260e+01, v22  }
0x108: {  	v5 =	vld.idx.msk [tilespmem:v5+s15+$0x0], $0xffff;
	v19 =	vadd.f32 $-8.799986260e+01, v19;
	v10 =	vmin.f32 v15, $7.500000000e+01;
	v9 =	vmax.f32 v9, $-7.500000000e+01  }
0x109: {  	v26 =	vld [tilespmem:s1+$0xFFFFFFE0];
	v10 =	vmul.f32 $1.442695020e+00, v10;
	(erf) = vpow2.f32 v12;
	v9 =	vmin.f32 v9, $7.500000000e+01  }
0x10a: {  	v54 =	vld [tilespmem:s1+$0xFFFFFFD0];
	v8 =	vadd.f32 $-1.000000000e+00, v8;
	v24 =	vsub.f32 $0.0e+00, v22;
	v14 =	vmul.u32 $0x2710, v4;
	v15 =	vpop (erf)  }
0x10b: {  	v27 =	vld [tilespmem:s1+$0xFFFFFFF0];
	v25 =	vsub.f32 $0.0e+00, v19;
	v11 =	vmul.f32 v15, v11;
	(erf) = vpow2.f32 v10  }
0x10c: {  	v12 =	vld [tilespmem:s28+$0xFFFFFFD0];
	v15 =	vadd.s32 v23, v14;
	v14 =	vadd.s32 v14, v16;
	v16 =	vmul.f32 $1.442695020e+00, v9;
	v9 =	vpop (erf)  }
0x10d: {  	v25 =	vmul.f32 $1.442695020e+00, v25;
	v23 =	vld [tilespmem:s29+$0xFFFFFFD0];
	v8 =	vadd.f32 v11, v8;
	v9 =	vadd.f32 $1.000000000e+00, v9  }
0x10e: {  	v13 =	vadd.f32 $-1.000000000e+00, v13;
	v10 =	vmul.f32 $1.442695020e+00, v24;
	v24 =	vld [tilespmem:s28+$0xFFFFFFE0];
	(erf) = vpow2.f32 v16  }
0x10f: {  	v11 =	vld [tilespmem:s29+$0xFFFFFFE0];
	v57 =	vmul.f32 v8, v5;
	v5 =	vmul.u32 $0x2710, v54;
	v56 =	vcvt.s32.f32 v9  }
0x110: {  	v55 =	vld [tilespmem:s28+$0xFFFFFFF0];
	v59 =	vadd.f32 $-1.000000000e+00, v22;
	v16 =	vmul.u32 $0x2710, v26;
	(erf) = vpow2.f32 v10  }
0x111: {  	v22 =	vadd.s32 v12, v5;
	v8 =	vpop (erf);
	(erf) = vpow2.f32 v25;
	v25 =	vld.idx.msk [tilespmem:v14+s14+$0x0], $0xffff;
	v14 =	vmul.f32 $8.262958320e-08, v56  }
0x112: {  	v58 =	vld.idx.msk [tilespmem:v15+s14+$0x0], $0xffff;
	v17 =	vmul.f32 v8, v17;
	v8 =	vadd.f32 $-1.000000000e+00, v19;
	v19 =	vadd.s32 v5, v23;
	v12 =	vpop (erf)  }
0x113: {  	v6 =	vld.idx.msk [tilespmem:v6+s15+$0x0], $0xffff;
	v10 =	vmul.u32 $0x2710, v27;
	v12 =	vadd.f32 $1.000000000e+00, v12;
	v15 =	vadd.f32 $-8.799986260e+01, v14  }
0x114: {  	v5 =	vld.idx.msk [tilespmem:v7+s15+$0x0], $0xffff;
	v23 =	vadd.s32 v24, v16;
	v16 =	vadd.s32 v16, v11;
	v17 =	vadd.f32 v17, v13;
	v13 =	vpop (erf)  }
0x115: {  	v14 =	vld.idx.msk [tilespmem:v26+s15+$0x0], $0xffff;
	v26 =	vcvt.s32.f32 v12;
	v13 =	vadd.f32 $1.000000000e+00, v13;
	v11 =	vsub.f32 $0.0e+00, v15  }
0x116: {  	v33 =	vadd.s32 v10, v60;
	v24 =	vadd.s32 v55, v10;
	v62 =	vld.idx.msk [tilespmem:v22+s14+$0x0], $0xffff;
	v61 =	vmul.f32 v17, v20  }
0x117: {  	v17 =	vadd.f32 v25, v58;
	v10 =	vpop (erf);
	v25 =	vld.idx.msk [tilespmem:v19+s14+$0x0], $0xffff;
	v22 =	vcvt.s32.f32 v13;
	v20 =	vmul.f32 $1.442695020e+00, v11  }
0x118: {  	v19 =	vmul.f32 $8.262958320e-08, v26;
	v10 =	vadd.f32 $1.000000000e+00, v10;
	v11 =	vld.idx.msk [tilespmem:v27+s15+$0x0], $0xffff  }
0x119: {  	v17 =	vmax.f32 v17, $-7.500000000e+01;
	v26 =	vpop (erf);
	v27 =	vmul.f32 $8.262958320e-08, v22;
	v22 =	vld.idx.msk [tilespmem:v16+s14+$0x0], $0xffff;
	(erf) = vpow2.f32 v20  }
0x11a: {  	v17 =	vmin.f32 v17, $7.500000000e+01;
	v26 =	vmul.f32 v26, v18;
	v63 =	vcvt.s32.f32 v10;
	v20 =	vld.idx.msk [tilespmem:v23+s14+$0x0], $0xffff  }
0x11b: {  	s30 =	simm.s32 $0xD930;
	v7 =	vld.idx.msk [tilespmem:v54+s15+$0x0], $0xffff;
	v34 =	vmul.f32 $1.442695020e+00, v17;
	v18 =	vadd.f32 $-8.799986260e+01, v19;
	v23 =	vpop (erf);
	v17 =	vadd.f32 $-8.799986260e+01, v27  }
0x11c: {  	[tilespmem:s30+$0x0] =	vst v57;
	v16 =	vmul.f32 v23, v21;
	v21 =	vld.idx.msk [tilespmem:v24+s14+$0x0], $0xffff;
	v24 =	vmul.f32 $8.262958320e-08, v63;
	v19 =	vadd.f32 v26, v59  }
0x11d: {  	s31 =	simm.s32 $0xD930;
	s0 =	simm.s32 $0x6370;
	s1 =	simm.s32 $0x140;
	[tilespmem:s30+$0xFFFFFFD0] =	vst v61;
	v23 =	vld.idx.msk [tilespmem:v33+s14+$0x0], $0xffff;
	v25 =	vadd.f32 v25, v62;
	(erf) = vpow2.f32 v34;
	v26 =	vsub.f32 $0.0e+00, v18  }
.LBB2_4:
0x11e: {  	v27 =	vld [tilespmem:s0+$0x0];
	s28 =	sadd.s32 $0x40, s28;
	v28 =	vsub.f32 $0.0e+00, v17;
	v24 =	vadd.f32 $-8.799986260e+01, v24;
	v19 =	vmul.f32 v19, v1;
	v1 =	vmovc v6;
	v6 =	vmovc v14  }
0x11f: {  	s1 =	sadd.s32 $0x4, s1;
	v20 =	vadd.f32 v22, v20;
	s29 =	sadd.s32 $0x40, s29;
	v14 =	vld [tilespmem:s28+$0x0];
	v25 =	vmax.f32 v25, $-7.500000000e+01;
	v22 =	vmul.f32 $1.442695020e+00, v26  }
0x120: {  	p0 =	slt.u32 s1, $0x26C;
	v26 =	vld [tilespmem:s29+$0x0];
	v25 =	vmin.f32 v25, $7.500000000e+01;
	v28 =	vmul.f32 $1.442695020e+00, v28;
	v29 =	vsub.f32 $0.0e+00, v24;
	[tilespmem:s30+$0xFFFFFFE0] =	vst v19  }
0x121: {  	v20 =	vmax.f32 v20, $-7.500000000e+01;
	v19 =	vmul.f32 $1.442695020e+00, v25;
	v25 =	vld.idx.msk [tilespmem:v0+s15+$0x0], $0xffff;
	(erf) = vpow2.f32 v22;
	v0 =	vmovc v4  }
0x122: {  	v20 =	vmin.f32 v20, $7.500000000e+01;
	v21 =	vadd.f32 v23, v21;
	v22 =	vld [tilespmem:s0+$0xFFFFFFE0];
	v23 =	vmul.f32 $1.442695020e+00, v29;
	v4 =	vpop (erf)  }
0x123: {  	v15 =	vadd.f32 $-1.000000000e+00, v15;
	v29 =	vld [tilespmem:s0+$0xFFFFFFF0];
	v30 =	vmul.u32 $0x2710, v27;
	v32 =	vmul.f32 v4, v9;
	v4 =	vmovc v27  }
0x124: {  	v20 =	vmul.f32 $1.442695020e+00, v20;
	v21 =	vmax.f32 v21, $-7.500000000e+01;
	v27 =	vld [tilespmem:s0+$0xFFFFFFD0];
	(erf) = vpow2.f32 v19  }
0x125: {  	v21 =	vmin.f32 v21, $7.500000000e+01;
	v19 =	vld [tilespmem:s28+$0xFFFFFFD0];
	v14 =	vadd.s32 v14, v30;
	v15 =	vadd.f32 v32, v15  }
0x126: {  	v26 =	vadd.s32 v30, v26;
	v21 =	vmul.f32 $1.442695020e+00, v21;
	v31 =	vld [tilespmem:s29+$0xFFFFFFD0];
	(erf) = vpow2.f32 v20;
	v9 =	vpop (erf)  }
0x127: {  	v20 =	vmul.u32 $0x2710, v22;
	v30 =	vld [tilespmem:s28+$0xFFFFFFE0];
	v9 =	vadd.f32 $1.000000000e+00, v9;
	v36 =	vmul.f32 v15, v25  }
0x128: {  	v18 =	vadd.f32 $-1.000000000e+00, v18;
	s30 =	sadd.s32 $0x40, s30;
	v25 =	vld [tilespmem:s29+$0xFFFFFFE0];
	v32 =	vmul.u32 $0x2710, v29;
	(erf) = vpow2.f32 v21  }
0x129: {  	v21 =	vmul.u32 $0x2710, v27;
	v33 =	vld [tilespmem:s28+$0xFFFFFFF0];
	v34 =	vcvt.s32.f32 v9;
	[tilespmem:s30+$0x0] =	vst v36;
	(erf) = vpow2.f32 v28  }
0x12a: {  	v35 =	vadd.f32 $-1.000000000e+00, v17;
	v28 =	vld.idx.msk [tilespmem:v14+s14+$0x0], $0xffff;
	v14 =	vadd.f32 $-1.000000000e+00, v24;
	v15 =	vpop (erf);
	(erf) = vpow2.f32 v23  }
0x12b: {  	v17 =	vadd.s32 v19, v21;
	v19 =	vadd.s32 v21, v31;
	v21 =	vld.idx.msk [tilespmem:v26+s14+$0x0], $0xffff;
	v23 =	vmul.f32 $8.262958320e-08, v34  }
0x12c: {  	v16 =	vadd.f32 v16, v8;
	v24 =	vadd.s32 v30, v20;
	v26 =	vld [tilespmem:s29+$0xFFFFFFF0];
	v30 =	vmul.f32 v15, v12;
	v8 =	vmovc v14  }
0x12d: {  	v27 =	vld.idx.msk [tilespmem:v27+s15+$0x0], $0xffff;
	v25 =	vadd.s32 v20, v25;
	v15 =	vadd.f32 $-8.799986260e+01, v23;
	v12 =	vpop (erf)  }
0x12e: {  	v14 =	vld.idx.msk [tilespmem:v22+s15+$0x0], $0xffff;
	v23 =	vadd.s32 v33, v32;
	v12 =	vadd.f32 $1.000000000e+00, v12;
	v18 =	vadd.f32 v30, v18  }
0x12f: {  	v16 =	vmul.f32 v16, v2;
	v2 =	vmov v5;
	v29 =	vld.idx.msk [tilespmem:v29+s15+$0x0], $0xffff;
	v20 =	vsub.f32 $0.0e+00, v15;
	v22 =	vpop (erf)  }
0x130: {  	v5 =	vmovc v11;
	v30 =	vld.idx.msk [tilespmem:v17+s14+$0x0], $0xffff;
	v17 =	vcvt.s32.f32 v12;
	v31 =	vadd.f32 $1.000000000e+00, v22;
	v22 =	vmul.f32 v18, v3;
	v3 =	vmovc v7  }
0x131: {  	v33 =	vld.idx.msk [tilespmem:v19+s14+$0x0], $0xffff;
	v19 =	vadd.s32 v32, v26;
	v32 =	vadd.f32 v21, v28;
	v26 =	vmul.f32 $1.442695020e+00, v20;
	v21 =	vpop (erf);
	[tilespmem:s31+$0xFFFFFFF0] =	vst v16;
	s31 =	smov.u32 s30  }
0x132: {  	v20 =	vld.idx.msk [tilespmem:v24+s14+$0x0], $0xffff;
	v16 =	vmul.f32 $8.262958320e-08, v17;
	v17 =	vcvt.s32.f32 v31;
	v24 =	vadd.f32 $1.000000000e+00, v21;
	[tilespmem:s30+$0xFFFFFFD0] =	vst v22;
	v18 =	vpop (erf)  }
.Ltmp1:
0x133: {  	v22 =	vld.idx.msk [tilespmem:v25+s14+$0x0], $0xffff;
	v28 =	vmax.f32 v32, $-7.500000000e+01;
	(erf) = vpow2.f32 v26;
	v25 =	vmul.f32 v18, v13;
	v11 =	vpop (erf);
	(pc) =	sbr.rel @p0 .LBB2_4-.Ltmp1, $4  }
0x134: {  	v7 =	vmovc v27;
	v13 =	vmovc v31;
	v21 =	vld.idx.msk [tilespmem:v23+s14+$0x0], $0xffff;
	v18 =	vmin.f32 v28, $7.500000000e+01;
	v17 =	vmul.f32 $8.262958320e-08, v17;
	v26 =	vcvt.s32.f32 v24  }
0x135: {  	v27 =	vmul.f32 $1.442695020e+00, v18;
	v18 =	vadd.f32 $-8.799986260e+01, v16;
	v16 =	vmul.f32 v11, v10;
	v11 =	vmovc v29;
	v10 =	vmovc v24  }
0x136: {  	v23 =	vld.idx.msk [tilespmem:v19+s14+$0x0], $0xffff;
	v17 =	vadd.f32 $-8.799986260e+01, v17;
	v24 =	vmul.f32 $8.262958320e-08, v26;
	v19 =	vadd.f32 v25, v35  }
0x137: {  	s0 =	sadd.s32 $0x40, s0;
	v25 =	vadd.f32 v33, v30;
	(erf) = vpow2.f32 v27;
	v26 =	vsub.f32 $0.0e+00, v18  }
0x138: {  	_ =	sdelay $0x1  }
0x139: {  	v20 =	vadd.f32 v22, v20  }
0x13a: {  	v52 =	vmax.f32 v25, $-7.500000000e+01;
	v21 =	vadd.f32 v23, v21  }
0x13b: {  	v53 =	vmul.f32 $1.442695020e+00, v26;
	v22 =	vmin.f32 v52, $7.500000000e+01;
	v20 =	vmax.f32 v20, $-7.500000000e+01  }
0x13c: {  	v22 =	vmul.f32 $1.442695020e+00, v22;
	v20 =	vmin.f32 v20, $7.500000000e+01;
	v21 =	vmax.f32 v21, $-7.500000000e+01  }
0x13d: {  	(erf) = vpow2.f32 v53;
	v20 =	vmul.f32 $1.442695020e+00, v20;
	v21 =	vmin.f32 v21, $7.500000000e+01  }
0x13e: {  	(erf) = vpow2.f32 v22;
	v21 =	vmul.f32 $1.442695020e+00, v21  }
0x13f: {  	(erf) = vpow2.f32 v20  }
0x140: {  	(erf) = vpow2.f32 v21;
	_ =	sdelay $0x3  }
0x141: {  	v54 =	vpop (erf)  }
0x142: {  	v55 =	vpop (erf)  }
0x143: {  	v21 =	vadd.f32 $1.000000000e+00, v55;
	v23 =	vpop (erf)  }
0x144: {  	v58 =	vpop (erf)  }
0x145: {  	v56 =	vcvt.s32.f32 v21;
	v26 =	vadd.f32 $1.000000000e+00, v58;
	v27 =	vpop (erf)  }
0x146: {  	v27 =	vadd.f32 $1.000000000e+00, v27;
	v29 =	vpop (erf)  }
0x147: {  	v22 =	vmul.f32 $8.262958320e-08, v56;
	v30 =	vcvt.s32.f32 v26;
	v29 =	vadd.f32 $1.000000000e+00, v29  }
0x148: {  	v57 =	vsub.f32 $0.0e+00, v17;
	v24 =	vadd.f32 $-8.799986260e+01, v24;
	v31 =	vcvt.s32.f32 v27  }
0x149: {  	v22 =	vadd.f32 $-8.799986260e+01, v22;
	v30 =	vmul.f32 $8.262958320e-08, v30;
	v33 =	vcvt.s32.f32 v29  }
0x14a: {  	v25 =	vmul.f32 $1.442695020e+00, v57;
	v28 =	vsub.f32 $0.0e+00, v24;
	v59 =	vmul.f32 $8.262958320e-08, v31  }
0x14b: {  	v32 =	vsub.f32 $0.0e+00, v22;
	v30 =	vadd.f32 $-8.799986260e+01, v30;
	v61 =	vmul.f32 $8.262958320e-08, v33  }
0x14c: {  	v28 =	vmul.f32 $1.442695020e+00, v28;
	(erf) = vpow2.f32 v25;
	v25 =	vadd.f32 $-8.799986260e+01, v59  }
0x14d: {  	v60 =	vmul.f32 $1.442695020e+00, v32;
	v62 =	vsub.f32 $0.0e+00, v30;
	v63 =	vadd.f32 $-8.799986260e+01, v61  }
0x14e: {  	(erf) = vpow2.f32 v28;
	v36 =	vsub.f32 $0.0e+00, v25  }
0x14f: {  	(erf) = vpow2.f32 v60;
	v28 =	vmul.f32 $1.442695020e+00, v62;
	v37 =	vsub.f32 $0.0e+00, v63  }
0x150: {  	v32 =	vmul.f32 $1.442695020e+00, v36  }
0x151: {  	(erf) = vpow2.f32 v28;
	v38 =	vmul.f32 $1.442695020e+00, v37  }
0x152: {  	(erf) = vpow2.f32 v32  }
0x153: {  	v0 =	vld.idx.msk [tilespmem:v0+s15+$0x0], $0xffff;
	(erf) = vpow2.f32 v38  }
0x154: {  	v15 =	vadd.f32 $-1.000000000e+00, v15;
	v40 =	vadd.f32 $-1.000000000e+00, v18;
	v9 =	vmul.f32 v54, v9  }
0x155: {  	v8 =	vadd.f32 v16, v8;
	v42 =	vadd.f32 $-1.000000000e+00, v17;
	v12 =	vmul.f32 v23, v12;
	v39 =	vpop (erf)  }
0x156: {  	v1 =	vmul.f32 v19, v1;
	v9 =	vadd.f32 v9, v15;
	v13 =	vmul.f32 v39, v13  }
0x157: {  	v2 =	vmul.f32 v8, v2;
	v47 =	vadd.f32 $-1.000000000e+00, v24;
	v12 =	vadd.f32 v12, v40;
	v41 =	vpop (erf)  }
0x158: {  	v4 =	vld.idx.msk [tilespmem:v4+s15+$0x0], $0xffff;
	v0 =	vmul.f32 v9, v0;
	v10 =	vmul.f32 v41, v10;
	v45 =	vadd.f32 v13, v42;
	v43 =	vpop (erf)  }
0x159: {  	v44 =	vadd.f32 $-1.000000000e+00, v22;
	v3 =	vmul.f32 v12, v3;
	v17 =	vmul.f32 v43, v21  }
0x15a: {  	[tilespmem:s30+$0xFFFFFFE0] =	vst v1;
	v50 =	vadd.f32 $-1.000000000e+00, v30;
	v1 =	vadd.f32 v10, v47;
	v6 =	vmul.f32 v45, v6;
	v48 =	vpop (erf)  }
0x15b: {  	s0 =	sadd.s32 $0x40, s30;
	[tilespmem:s31+$0xFFFFFFF0] =	vst v2;
	v53 =	vadd.f32 $-1.000000000e+00, v25;
	v46 =	vadd.f32 v17, v44;
	v51 =	vmul.f32 v48, v26;
	v52 =	vpop (erf)  }
0x15c: {  	[tilespmem:s0+$0x0] =	vst v0;
	v1 =	vmul.f32 v1, v5;
	v55 =	vadd.f32 $-1.000000000e+00, v63;
	v9 =	vmul.f32 v52, v27;
	v54 =	vpop (erf)  }
0x15d: {  	[tilespmem:s0+$0xFFFFFFD0] =	vst v3;
	v49 =	vmul.f32 v46, v4;
	v4 =	vadd.f32 v51, v50;
	v56 =	vmul.f32 v54, v29  }
0x15e: {  	[tilespmem:s0+$0xFFFFFFE0] =	vst v6;
	v2 =	vadd.f32 v9, v53  }
0x15f: {  	s1 =	sadd.s32 $0x40, s0;
	[tilespmem:s0+$0xFFFFFFF0] =	vst v1;
	v57 =	vmul.f32 v4, v7;
	v3 =	vadd.f32 v56, v55  }
0x160: {  	[tilespmem:s1+$0x0] =	vst v49;
	v58 =	vmul.f32 v2, v14  }
0x161: {  	[tilespmem:s1+$0xFFFFFFD0] =	vst v57;
	v59 =	vmul.f32 v3, v11  }
0x162: {  	[tilespmem:s1+$0xFFFFFFE0] =	vst v58  }
0x163: {  	[tilespmem:s1+$0xFFFFFFF0] =	vst v59  }
0x164: {  	v0 =	vld [tilespmem:$0x7600];
	_ =	sdelay $0x1  }
0x165: {  	v1 =	vld [tilespmem:$0x2700]  }
0x166: {  	v60 =	vld [tilespmem:$0x4E80];
	_ =	sdelay $0x1  }
0x167: {  	v61 =	vmul.u32 $0x2710, v0;
	_ =	sdelay $0x1  }
0x168: {  	v1 =	vadd.s32 v1, v61  }
0x169: {  	v2 =	vadd.s32 v61, v60;
	_ =	sdelay $0x3  }
0x16a: {  	v1 =	vld.idx.msk [tilespmem:v1+s14+$0x0], $0xffff  }
0x16b: {  	v2 =	vld.idx.msk [tilespmem:v2+s14+$0x0], $0xffff;
	_ =	sdelay $0x4  }
0x16c: {  	v1 =	vadd.f32 v2, v1;
	_ =	sdelay $0x1  }
0x16d: {  	v1 =	vmax.f32 v1, $-7.500000000e+01  }
0x16e: {  	v1 =	vmin.f32 v1, $7.500000000e+01  }
0x16f: {  	v1 =	vmul.f32 $1.442695020e+00, v1;
	_ =	sdelay $0x1  }
0x170: {  	(erf) = vpow2.f32 v1;
	_ =	sdelay $0x8  }
0x171: {  	v1 =	vpop (erf)  }
0x172: {  	v1 =	vadd.f32 $1.000000000e+00, v1;
	_ =	sdelay $0x1  }
0x173: {  	v62 =	vcvt.s32.f32 v1;
	_ =	sdelay $0x1  }
0x174: {  	v2 =	vmul.f32 $8.262958320e-08, v62;
	_ =	sdelay $0x1  }
0x175: {  	v2 =	vadd.f32 $-8.799986260e+01, v2;
	_ =	sdelay $0x1  }
0x176: {  	v63 =	vsub.f32 $0.0e+00, v2;
	_ =	sdelay $0x1  }
0x177: {  	v3 =	vmul.f32 $1.442695020e+00, v63;
	_ =	sdelay $0x1  }
0x178: {  	(erf) = vpow2.f32 v3;
	_ =	sdelay $0x8  }
0x179: {  	v0 =	vld.idx.msk [tilespmem:v0+s15+$0x0], $0xffff;
	v3 =	vpop (erf)  }
0x17a: {  	v2 =	vadd.f32 $-1.000000000e+00, v2;
	v1 =	vmul.f32 v3, v1;
	_ =	sdelay $0x1  }
0x17b: {  	v1 =	vadd.f32 v1, v2;
	_ =	sdelay $0x1  }
0x17c: {  	v0 =	vmul.f32 v1, v0;
	_ =	sdelay $0x1  }
0x17d: {  	s26 =	sadd.s32 $0x1, s26;
	[tilespmem:$0xEC80] =	vst v0  }
0x17e: {  	[hbm4b:s12+s3] =	stream.linear.scatter [tilespmem:s23], [sflag:$0x3], $0x1390, $0x38;
	[tilespmem:$0xED00] =	vst v63  }
0x17f: {  	p0 =	sne.s32 s26, s13;
	_ =	swait.ge [sflag:s24], $0x1390  }
.Ltmp2:
0x180: {  	[sflag:s24] =	ssyncset.done $0x0;
	(pc) =	sbr.rel @p0 .LBB2_1-.Ltmp2, $4  }
0x181: {  	[sflag:s24] =	ssyncadd.s32 $0xFFFFEC70  }
0x182: {  	_ =	swait.ge [sflag:s25], $0x1380  }
0x183: {  	[sflag:s25] =	ssyncset.done $0x0  }
0x184: {  	[sflag:s25] =	ssyncadd.s32 $0xFFFFEC80  }
0x185: {  	_ =	sfence.sel $0x180000  }
0x186: {  	[bflag:$0x0] =	sbarrier.arrive $0xFFFF  }
0x187: {  	_ =	strace $0x90000047  }
0x188: {  	s0 =	stileid.u32;
	[bflag:$0x2] =	sbarrier.arrive $0xFFFF  }
0x189: {  	p0 =	sne.s32 s0, $0x0;
	s0 =	rddreg [dreg:$0x6]  }
0x18a: {  	s0 =	sadd.s32 @!p0 $0x100000, s0  }
0x18b: {  	[sflag:s0] =	ssyncadd.tile.s32 @!p0 $0x1;
	_ =	shalt  }
.Lfunc_end2:
_tile_overlayer_lowered:
.L_overlay_start_2:
0x18c: {  	(tag) =	ssettag $0x2  }
0x18d: {  	s0 =	rddreg [dreg:$0x0];
	s2 =	stileid.u32  }
0x18e: {  	s1 =	rddreg [dreg:$0x1];
	p0 =	sne.s32 s2, $0x0  }
0x18f: {  	s3 =	rddreg [dreg:$0x2];
	[bflag:$0x3] =	sbarrier.arrive $0xFFFF;
	s2 =	simm.s32 @!p0 $0x1C03  }
0x190: {  	[timem:s3], [sflag:s2] =	dma.local @!p0 [hbm:s0], s1  }
0x191: {  	s0 =	simm.s32 @!p0 $0x3  }
0x192: {  	_ =	swait.ge @!p0 [sflag:s0], s1  }
0x193: {  	s1 =	ssub.s32 @!p0 $0x0, s1;
	[sflag:s0] =	ssyncset.done @!p0 $0x0  }
0x194: {  	[sflag:s0] =	ssyncadd.s32 @!p0 s1  }
0x195: {  	[bflag:$0x3] =	sbarrier.arrive $0xFFFF  }
0x196: {  	_ =	shalt  }

</sc_bundles>
